<compile_context>
chip_gen: v7x
topology: tpu7x:2x2x1
jax: 0.10.2.dev20260603
libtpu: 0.0.44.dev20260713+nightly
codegen_flags: <defaults>
</compile_context>

<pallas_src>
import functools

import jax
import jax.numpy as jnp
from jax import lax
from jax.experimental import pallas as pl
from jax.experimental.pallas import tpu as pltpu
from jax.experimental.pallas import tpu_sc as plsc

NC = 2
NS = 16
NW = NC * NS
CH = 80
RI = 5
RB = 3
GL = 1
LANES = 16


def _sc_body(n_nodes, d_feat, e_per_w, nch,
             src_hbm, dst_hbm, w_hbm, feat_hbm, out_hbm,
             src_b, dst_b, w_b, rows, acc, sem_i, sem_g, sem_s):
    c = lax.axis_index("c")
    s = lax.axis_index("s")
    wid = s * NC + c
    ebase = wid * e_per_w
    nco = n_nodes // CH
    maxq = (nco + NS - 1) // NS

    zero = jnp.zeros((LANES,), jnp.float32)

    def zrow(i, carry):
        for cc in range(d_feat // LANES):
            rows[0, i, pl.ds(cc * LANES, LANES)] = zero
        return carry

    lax.fori_loop(0, CH, zrow, 0)

    def zchunk(q, carry):
        idx = s + q * NS

        @pl.when(idx < nco)
        def _():
            pltpu.sync_copy(rows.at[0], acc.at[pl.ds(idx * CH, CH)])

        return carry

    lax.fori_loop(0, maxq, zchunk, 0)
    plsc.subcore_barrier()

    def stage(j, p):
        off = ebase + j * CH
        pltpu.async_copy(src_hbm.at[pl.ds(off, CH)], src_b.at[p], sem_i.at[p])
        pltpu.async_copy(dst_hbm.at[pl.ds(off, CH)], dst_b.at[p], sem_i.at[p])
        pltpu.async_copy(w_hbm.at[pl.ds(off, CH)], w_b.at[p], sem_i.at[p])

    def wait_stage(p):
        pltpu.make_async_copy(
            src_hbm.at[pl.ds(0, CH)], src_b.at[p], sem_i.at[p]).wait()
        pltpu.make_async_copy(
            dst_hbm.at[pl.ds(0, CH)], dst_b.at[p], sem_i.at[p]).wait()
        pltpu.make_async_copy(
            w_hbm.at[pl.ds(0, CH)], w_b.at[p], sem_i.at[p]).wait()

    def gather(pi, pb):
        pltpu.async_copy(
            feat_hbm.at[src_b.at[pi]], rows.at[pb], sem_g.at[pb])

    def wait_gather(pi, pb):
        pltpu.make_async_copy(
            feat_hbm.at[src_b.at[pi]], rows.at[pb], sem_g.at[pb]).wait()

    def scatter(pb, pi):
        pltpu.async_copy(
            rows.at[pb], acc.at[dst_b.at[pi]], sem_s.at[pb], add=True)

    def wait_scatter(pb):
        pltpu.make_async_copy(
            rows.at[pb], acc.at[dst_b.at[0]], sem_s.at[pb]).wait()

    for k in range(RI - 2):
        stage(k, k)
    for k in range(GL):
        wait_stage(k)
        gather(k, k)

    def chunk_body(j, carry):
        pb = lax.rem(j, RB)
        pi = lax.rem(j, RI)

        @pl.when(j >= 2)
        def _():
            wait_scatter(lax.rem(j - 2, RB))

        @pl.when(j + GL < nch)
        def _():
            g = lax.rem(j + GL, RI)
            wait_stage(g)
            gather(g, lax.rem(j + GL, RB))

        @pl.when(j + RI - 2 < nch)
        def _():
            stage(j + RI - 2, lax.rem(j + RI - 2, RI))

        wait_gather(pi, pb)

        piv = jnp.full((LANES,), pi, jnp.int32)

        @plsc.parallel_loop(0, CH, unroll=4)
        def _(i):
            wsplat = plsc.load_gather(
                w_b, [piv, jnp.full((LANES,), i, jnp.int32)])
            for cc in range(d_feat // LANES):
                sl = pl.ds(cc * LANES, LANES)
                rows[pb, i, sl] = rows[pb, i, sl] * wsplat

        scatter(pb, pi)
        return carry

    lax.fori_loop(0, nch, chunk_body, 0)

    wait_scatter((nch - 2) % RB)
    wait_scatter((nch - 1) % RB)
    plsc.subcore_barrier()

    def dchunk(q, carry):
        idx = s + q * NS

        @pl.when(idx < nco)
        def _():
            base = idx * CH
            pltpu.sync_copy(acc.at[pl.ds(base, CH)], rows.at[0])
            pltpu.sync_copy(rows.at[0], out_hbm.at[c, pl.ds(base, CH)])

        return carry

    lax.fori_loop(0, maxq, dchunk, 0)


def _add_body(a_ref, b_ref, o_ref):
    o_ref[...] = a_ref[...] + b_ref[...]


@jax.jit
def kernel(edge_index, edge_weight, features, selfLoop):
    n_nodes, d_feat = features.shape
    n_edges = edge_weight.shape[0]
    e_per_w = n_edges // NW
    nch = e_per_w // CH

    src_flat = edge_index[1]
    dst_flat = edge_index[0]

    mesh = plsc.VectorSubcoreMesh(core_axis_name="c", subcore_axis_name="s")
    partial = pl.kernel(
        functools.partial(_sc_body, n_nodes, d_feat, e_per_w, nch),
        out_type=jax.ShapeDtypeStruct((NC, n_nodes, d_feat), jnp.float32),
        mesh=mesh,
        compiler_params=pltpu.CompilerParams(needs_layout_passes=False),
        scratch_types=[
            pltpu.VMEM((RI, CH), jnp.int32),
            pltpu.VMEM((RI, CH), jnp.int32),
            pltpu.VMEM((RI, CH), jnp.float32),
            pltpu.VMEM((RB, CH, d_feat), jnp.float32),
            pltpu.VMEM_SHARED((n_nodes, d_feat), jnp.float32),
            pltpu.SemaphoreType.DMA((RI,)),
            pltpu.SemaphoreType.DMA((RB,)),
            pltpu.SemaphoreType.DMA((RB,)),
        ],
    )(src_flat, dst_flat, edge_weight, features)

    blk = 1000
    out = pl.pallas_call(
        _add_body,
        out_shape=jax.ShapeDtypeStruct((n_nodes, d_feat), jnp.float32),
        grid=(n_nodes // blk,),
        in_specs=[
            pl.BlockSpec((blk, d_feat), lambda i: (i, 0)),
            pl.BlockSpec((blk, d_feat), lambda i: (i, 0)),
        ],
        out_specs=pl.BlockSpec((blk, d_feat), lambda i: (i, 0)),
    )(partial[0], partial[1])
    return out

# --- scband reference (transcript-rebuilt; emitter-appended) ---
"""Pipeline reference for scband-gcn-layer-55860344652275 (READ-ONLY COPY).

The authoritative reference and input builder live on the scoring server;
editing this copy changes nothing except your own understanding.
"""

import jax, jax.numpy as jnp
import numpy as np

N_NODES = 10000
N_EDGES = 320000
D_FEAT = 128


def setup_inputs(seed: int = 0) -> dict:
    key = jax.random.key(seed)
    k1, k2, k3 = jax.random.split(key, 3)
    edge_index = jax.random.randint(k1, (2, N_EDGES), 0, N_NODES, dtype=jnp.int32)
    edge_weight = jax.random.uniform(k2, (N_EDGES,), dtype=jnp.float32)
    features = jax.random.normal(k3, (N_NODES, D_FEAT), dtype=jnp.float32)
    selfLoop = jnp.zeros((N_NODES,), dtype=jnp.float32)  # unused by forward
    return {"edge_index": edge_index, "edge_weight": edge_weight, "features": features, "selfLoop": selfLoop}


def reference(edge_index, edge_weight, features, selfLoop):
    # Faithful translation of forward: torch.sparse.mm(graph, features)
    # where graph is a sparse COO matrix [N, N] with entries (dst, src) -> w.
    # spmm as gather (features[src]) + scale + scatter-add into dst rows.
    src = edge_index[1]
    dst = edge_index[0]
    msgs = edge_weight[:, None] * features[src]
    out = jnp.zeros((features.shape[0], features.shape[1]), dtype=features.dtype)
    out = out.at[dst].add(msgs)
    return out

if __name__ == "__main__":
    import jax
    _d = setup_inputs()
    print(jax.jit(kernel)(*tuple(_d.values())))

</pallas_src>

<mosaic_0001>
#map = affine_map<(d0, d1) -> (0)>
#map1 = affine_map<(d0, d1) -> (0, 0)>
#map2 = affine_map<(d0, d1) -> (0, 0, 0)>
module attributes {stable_mosaic.version = 14 : i64} {
  func.func @_sc_body(%arg0: i32, %arg1: i32, %arg2: memref<320000xi32, #tpu.memory_space<hbm>>, %arg3: memref<320000xi32, #tpu.memory_space<hbm>>, %arg4: memref<320000xf32, #tpu.memory_space<hbm>>, %arg5: memref<10000x128xf32, #tpu.memory_space<hbm>>, %arg6: memref<2x10000x128xf32, #tpu.memory_space<hbm>>, %arg7: memref<5x80xi32, #tpu.memory_space<vmem>>, %arg8: memref<5x80xi32, #tpu.memory_space<vmem>>, %arg9: memref<5x80xf32, #tpu.memory_space<vmem>>, %arg10: memref<3x80x128xf32, #tpu.memory_space<vmem>>, %arg11: memref<10000x128xf32, #tpu.memory_space<vmem_shared>>, %arg12: memref<5x!tpu.dma_semaphore, #tpu.memory_space<semaphore_mem>>, %arg13: memref<3x!tpu.dma_semaphore, #tpu.memory_space<semaphore_mem>>, %arg14: memref<3x!tpu.dma_semaphore, #tpu.memory_space<semaphore_mem>>) attributes {dimension_semantics = [#tpu.dimension_semantics<core_parallel>, #tpu.dimension_semantics<subcore_parallel>], iteration_bounds = array<i64: 2, 16>, scalar_prefetch = 0 : i64, scratch_operands = 8 : i64, tpu.core_type = #tpu.core_type<sc_vector_subcore>, window_params = [{transform_indices = #map}, {transform_indices = #map}, {transform_indices = #map}, {transform_indices = #map1}, {transform_indices = #map2}]} {
    %mul3A = arith.constant 2 : i32
    %mul3A_0 = arith.muli %arg1, %mul3A : i32
    %add3A = arith.addi %mul3A_0, %arg0 : i32
    %mul3A_1 = arith.constant 10000 : i32
    %mul3A_2 = arith.muli %add3A, %mul3A_1 : i32
    %broadcast_in_dim3A = arith.constant 0.000000e+00 : f32
    %broadcast_in_dim3A_3 = vector.broadcast %broadcast_in_dim3A : f32 to vector<16xf32>
    %scan3A = arith.constant 0 : i32
    %scan3A_4 = arith.constant 0 : i32
    %scan3A_5 = arith.constant 80 : i32
    %scan3A_6 = arith.addi %scan3A_4, %scan3A_5 : i32
    %scan3A_7 = arith.constant 1 : i32
    scf.for %scan3A_227 = %scan3A_4 to %scan3A_6 step %scan3A_7  : i32 {
      %swap3A = arith.constant 0 : i32
      %swap3A_228 = arith.index_cast %swap3A : i32 to index
      %swap3A_229 = arith.index_cast %scan3A_227 : i32 to index
      %swap3A_230 = arith.constant 0 : index
      %swap3A_231 = tpu.vector_load %arg10[%swap3A_228, %swap3A_229, %swap3A_230] {strides = array<i32>} : memref<3x80x128xf32, #tpu.memory_space<vmem>>, vector<16xf32>,
      tpu.vector_store %arg10[%swap3A_228, %swap3A_229, %swap3A_230], %broadcast_in_dim3A_3 {strides = array<i32>} : memref<3x80x128xf32, #tpu.memory_space<vmem>>, vector<16xf32>,
      %swap3A_232 = arith.constant 0 : i32
      %swap3A_233 = arith.index_cast %swap3A_232 : i32 to index
      %swap3A_234 = arith.index_cast %scan3A_227 : i32 to index
      %swap3A_235 = arith.constant 16 : index
      %swap3A_236 = tpu.vector_load %arg10[%swap3A_233, %swap3A_234, %swap3A_235] {strides = array<i32>} : memref<3x80x128xf32, #tpu.memory_space<vmem>>, vector<16xf32>,
      tpu.vector_store %arg10[%swap3A_233, %swap3A_234, %swap3A_235], %broadcast_in_dim3A_3 {strides = array<i32>} : memref<3x80x128xf32, #tpu.memory_space<vmem>>, vector<16xf32>,
      %swap3A_237 = arith.constant 0 : i32
      %swap3A_238 = arith.index_cast %swap3A_237 : i32 to index
      %swap3A_239 = arith.index_cast %scan3A_227 : i32 to index
      %swap3A_240 = arith.constant 32 : index
      %swap3A_241 = tpu.vector_load %arg10[%swap3A_238, %swap3A_239, %swap3A_240] {strides = array<i32>} : memref<3x80x128xf32, #tpu.memory_space<vmem>>, vector<16xf32>,
      tpu.vector_store %arg10[%swap3A_238, %swap3A_239, %swap3A_240], %broadcast_in_dim3A_3 {strides = array<i32>} : memref<3x80x128xf32, #tpu.memory_space<vmem>>, vector<16xf32>,
      %swap3A_242 = arith.constant 0 : i32
      %swap3A_243 = arith.index_cast %swap3A_242 : i32 to index
      %swap3A_244 = arith.index_cast %scan3A_227 : i32 to index
      %swap3A_245 = arith.constant 48 : index
      %swap3A_246 = tpu.vector_load %arg10[%swap3A_243, %swap3A_244, %swap3A_245] {strides = array<i32>} : memref<3x80x128xf32, #tpu.memory_space<vmem>>, vector<16xf32>,
      tpu.vector_store %arg10[%swap3A_243, %swap3A_244, %swap3A_245], %broadcast_in_dim3A_3 {strides = array<i32>} : memref<3x80x128xf32, #tpu.memory_space<vmem>>, vector<16xf32>,
      %swap3A_247 = arith.constant 0 : i32
      %swap3A_248 = arith.index_cast %swap3A_247 : i32 to index
      %swap3A_249 = arith.index_cast %scan3A_227 : i32 to index
      %swap3A_250 = arith.constant 64 : index
      %swap3A_251 = tpu.vector_load %arg10[%swap3A_248, %swap3A_249, %swap3A_250] {strides = array<i32>} : memref<3x80x128xf32, #tpu.memory_space<vmem>>, vector<16xf32>,
      tpu.vector_store %arg10[%swap3A_248, %swap3A_249, %swap3A_250], %broadcast_in_dim3A_3 {strides = array<i32>} : memref<3x80x128xf32, #tpu.memory_space<vmem>>, vector<16xf32>,
      %swap3A_252 = arith.constant 0 : i32
      %swap3A_253 = arith.index_cast %swap3A_252 : i32 to index
      %swap3A_254 = arith.index_cast %scan3A_227 : i32 to index
      %swap3A_255 = arith.constant 80 : index
      %swap3A_256 = tpu.vector_load %arg10[%swap3A_253, %swap3A_254, %swap3A_255] {strides = array<i32>} : memref<3x80x128xf32, #tpu.memory_space<vmem>>, vector<16xf32>,
      tpu.vector_store %arg10[%swap3A_253, %swap3A_254, %swap3A_255], %broadcast_in_dim3A_3 {strides = array<i32>} : memref<3x80x128xf32, #tpu.memory_space<vmem>>, vector<16xf32>,
      %swap3A_257 = arith.constant 0 : i32
      %swap3A_258 = arith.index_cast %swap3A_257 : i32 to index
      %swap3A_259 = arith.index_cast %scan3A_227 : i32 to index
      %swap3A_260 = arith.constant 96 : index
      %swap3A_261 = tpu.vector_load %arg10[%swap3A_258, %swap3A_259, %swap3A_260] {strides = array<i32>} : memref<3x80x128xf32, #tpu.memory_space<vmem>>, vector<16xf32>,
      tpu.vector_store %arg10[%swap3A_258, %swap3A_259, %swap3A_260], %broadcast_in_dim3A_3 {strides = array<i32>} : memref<3x80x128xf32, #tpu.memory_space<vmem>>, vector<16xf32>,
      %swap3A_262 = arith.constant 0 : i32
      %swap3A_263 = arith.index_cast %swap3A_262 : i32 to index
      %swap3A_264 = arith.index_cast %scan3A_227 : i32 to index
      %swap3A_265 = arith.constant 112 : index
      %swap3A_266 = tpu.vector_load %arg10[%swap3A_263, %swap3A_264, %swap3A_265] {strides = array<i32>} : memref<3x80x128xf32, #tpu.memory_space<vmem>>, vector<16xf32>,
      tpu.vector_store %arg10[%swap3A_263, %swap3A_264, %swap3A_265], %broadcast_in_dim3A_3 {strides = array<i32>} : memref<3x80x128xf32, #tpu.memory_space<vmem>>, vector<16xf32>,
    }
    %scan3A_8 = arith.constant 80 : i32
    %scan3A_9 = arith.constant 0 : i32
    %scan3A_10 = arith.constant 0 : i32
    %scan3A_11 = arith.constant 8 : i32
    %scan3A_12 = arith.addi %scan3A_10, %scan3A_11 : i32
    %scan3A_13 = arith.constant 1 : i32
    scf.for %scan3A_227 = %scan3A_10 to %scan3A_12 step %scan3A_13  : i32 {
      %mul3A_228 = arith.constant 16 : i32
      %mul3A_229 = arith.muli %scan3A_227, %mul3A_228 : i32
      %add3A_230 = arith.addi %arg1, %mul3A_229 : i32
      %lt3A = arith.constant 125 : i32
      %lt3A_231 = arith.cmpi slt, %add3A_230, %lt3A : i32
      %convert_element_type3A = arith.extui %lt3A_231 : i1 to i32
      %cond3A = arith.constant 0 : i32
      %cond3A_232 = arith.cmpi ne, %convert_element_type3A, %cond3A : i32
      scf.if %cond3A_232 {
        %mul3A_233 = arith.constant 80 : i32
        %mul3A_234 = arith.muli %add3A_230, %mul3A_233 : i32
        %run_scoped3A = arith.constant 0 : i32
        "tpu.region"() ({
          %run_scoped3A_235 = tpu.sem_alloc : memref<!tpu.dma_semaphore, #tpu.memory_space<semaphore_mem>>
          %dma_start3A_236 = arith.constant 0 : i32
          %dma_start3A_237 = arith.constant 0 : i32
          %dma_start3A_238 = tpu.memref_slice %arg10[%run_scoped3A, %dma_start3A_236, %dma_start3A_237] : memref<3x80x128xf32, #tpu.memory_space<vmem>> -> memref<1x80x128xf32, #tpu.memory_space<vmem>>
          %dma_start3A_239 = tpu.memref_squeeze %dma_start3A_238 : memref<1x80x128xf32, #tpu.memory_space<vmem>> -> memref<80x128xf32, #tpu.memory_space<vmem>>
          %dma_start3A_240 = arith.constant 0 : i32
          %dma_start3A_241 = tpu.memref_slice %arg11[%mul3A_234, %dma_start3A_240] : memref<10000x128xf32, #tpu.memory_space<vmem_shared>> -> memref<80x128xf32, #tpu.memory_space<vmem_shared>>
          %dma_start3A_242 = arith.constant 0 : i32
          %dma_start3A_243 = tpu.memref_slice %arg11[%mul3A_234, %dma_start3A_242] : memref<10000x128xf32, #tpu.memory_space<vmem_shared>> -> memref<80x128xf32, #tpu.memory_space<vmem_shared>>
          %dma_start3A_244 = arith.constant 0 : i32
          %dma_start3A_245 = arith.constant 0 : i32
          %dma_start3A_246 = tpu.memref_slice %arg10[%run_scoped3A, %dma_start3A_244, %dma_start3A_245] : memref<3x80x128xf32, #tpu.memory_space<vmem>> -> memref<1x80x128xf32, #tpu.memory_space<vmem>>
          %dma_start3A_247 = tpu.memref_squeeze %dma_start3A_246 : memref<1x80x128xf32, #tpu.memory_space<vmem>> -> memref<80x128xf32, #tpu.memory_space<vmem>>
          tpu.enqueue_dma source(%dma_start3A_247 : memref<80x128xf32, #tpu.memory_space<vmem>>) target(%dma_start3A_243 : memref<80x128xf32, #tpu.memory_space<vmem_shared>>) target_semaphore(%run_scoped3A_235 : memref<!tpu.dma_semaphore, #tpu.memory_space<semaphore_mem>>)
          %dma_wait3A_248 = arith.constant 0 : i32
          %dma_wait3A_249 = arith.constant 0 : i32
          %dma_wait3A_250 = tpu.memref_slice %arg10[%run_scoped3A, %dma_wait3A_248, %dma_wait3A_249] : memref<3x80x128xf32, #tpu.memory_space<vmem>> -> memref<1x80x128xf32, #tpu.memory_space<vmem>>
          %dma_wait3A_251 = tpu.memref_squeeze %dma_wait3A_250 : memref<1x80x128xf32, #tpu.memory_space<vmem>> -> memref<80x128xf32, #tpu.memory_space<vmem>>
          %dma_wait3A_252 = arith.constant 0 : i32
          %dma_wait3A_253 = tpu.memref_slice %arg11[%mul3A_234, %dma_wait3A_252] : memref<10000x128xf32, #tpu.memory_space<vmem_shared>> -> memref<80x128xf32, #tpu.memory_space<vmem_shared>>
          %dma_wait3A_254 = arith.constant 0 : i32
          %dma_wait3A_255 = tpu.memref_slice %arg11[%mul3A_234, %dma_wait3A_254] : memref<10000x128xf32, #tpu.memory_space<vmem_shared>> -> memref<80x128xf32, #tpu.memory_space<vmem_shared>>
          %dma_wait3A_256 = arith.constant 0 : i32
          %dma_wait3A_257 = arith.constant 0 : i32
          %dma_wait3A_258 = tpu.memref_slice %arg10[%run_scoped3A, %dma_wait3A_256, %dma_wait3A_257] : memref<3x80x128xf32, #tpu.memory_space<vmem>> -> memref<1x80x128xf32, #tpu.memory_space<vmem>>
          %dma_wait3A_259 = tpu.memref_squeeze %dma_wait3A_258 : memref<1x80x128xf32, #tpu.memory_space<vmem>> -> memref<80x128xf32, #tpu.memory_space<vmem>>
          tpu.wait_dma2 semaphore(%run_scoped3A_235 : memref<!tpu.dma_semaphore, #tpu.memory_space<semaphore_mem>>) src(%dma_wait3A_259 : memref<80x128xf32, #tpu.memory_space<vmem>>) dst(%dma_wait3A_255 : memref<80x128xf32, #tpu.memory_space<vmem_shared>>)
          tpu.yield
        }) : () -> ()
      } else {
      }
    }
    %scan3A_14 = arith.constant 8 : i32
    %barrier3A = arith.constant 0 : index
    tpu.barrier barrier_id(%barrier3A)
    %add3A_15 = arith.constant 0 : i32
    %add3A_16 = arith.addi %mul3A_2, %add3A_15 : i32
    %dma_start3A = arith.constant 0 : i32
    %dma_start3A_17 = arith.constant 0 : i32
    %dma_start3A_18 = arith.constant 0 : i32
    %dma_start3A_19 = tpu.memref_slice %arg7[%dma_start3A, %dma_start3A_18] : memref<5x80xi32, #tpu.memory_space<vmem>> -> memref<1x80xi32, #tpu.memory_space<vmem>>
    %dma_start3A_20 = tpu.memref_squeeze %dma_start3A_19 : memref<1x80xi32, #tpu.memory_space<vmem>> -> memref<80xi32, #tpu.memory_space<vmem>>
    %dma_start3A_21 = tpu.memref_slice %arg2[%add3A_16] : memref<320000xi32, #tpu.memory_space<hbm>> -> memref<80xi32, #tpu.memory_space<hbm>>
    %dma_start3A_22 = tpu.memref_slice %arg12[%dma_start3A_17] : memref<5x!tpu.dma_semaphore, #tpu.memory_space<semaphore_mem>> -> memref<1x!tpu.dma_semaphore, #tpu.memory_space<semaphore_mem>>
    %dma_start3A_23 = tpu.memref_squeeze %dma_start3A_22 : memref<1x!tpu.dma_semaphore, #tpu.memory_space<semaphore_mem>> -> memref<!tpu.dma_semaphore, #tpu.memory_space<semaphore_mem>>
    %dma_start3A_24 = arith.constant 0 : i32
    %dma_start3A_25 = tpu.memref_slice %arg7[%dma_start3A, %dma_start3A_24] : memref<5x80xi32, #tpu.memory_space<vmem>> -> memref<1x80xi32, #tpu.memory_space<vmem>>
    %dma_start3A_26 = tpu.memref_squeeze %dma_start3A_25 : memref<1x80xi32, #tpu.memory_space<vmem>> -> memref<80xi32, #tpu.memory_space<vmem>>
    %dma_start3A_27 = tpu.memref_slice %arg2[%add3A_16] : memref<320000xi32, #tpu.memory_space<hbm>> -> memref<80xi32, #tpu.memory_space<hbm>>
    tpu.enqueue_dma source(%dma_start3A_27 : memref<80xi32, #tpu.memory_space<hbm>>) target(%dma_start3A_26 : memref<80xi32, #tpu.memory_space<vmem>>) target_semaphore(%dma_start3A_23 : memref<!tpu.dma_semaphore, #tpu.memory_space<semaphore_mem>>)
    %dma_start3A_28 = arith.constant 0 : i32
    %dma_start3A_29 = arith.constant 0 : i32
    %dma_start3A_30 = arith.constant 0 : i32
    %dma_start3A_31 = tpu.memref_slice %arg8[%dma_start3A_28, %dma_start3A_30] : memref<5x80xi32, #tpu.memory_space<vmem>> -> memref<1x80xi32, #tpu.memory_space<vmem>>
    %dma_start3A_32 = tpu.memref_squeeze %dma_start3A_31 : memref<1x80xi32, #tpu.memory_space<vmem>> -> memref<80xi32, #tpu.memory_space<vmem>>
    %dma_start3A_33 = tpu.memref_slice %arg3[%add3A_16] : memref<320000xi32, #tpu.memory_space<hbm>> -> memref<80xi32, #tpu.memory_space<hbm>>
    %dma_start3A_34 = tpu.memref_slice %arg12[%dma_start3A_29] : memref<5x!tpu.dma_semaphore, #tpu.memory_space<semaphore_mem>> -> memref<1x!tpu.dma_semaphore, #tpu.memory_space<semaphore_mem>>
    %dma_start3A_35 = tpu.memref_squeeze %dma_start3A_34 : memref<1x!tpu.dma_semaphore, #tpu.memory_space<semaphore_mem>> -> memref<!tpu.dma_semaphore, #tpu.memory_space<semaphore_mem>>
    %dma_start3A_36 = arith.constant 0 : i32
    %dma_start3A_37 = tpu.memref_slice %arg8[%dma_start3A_28, %dma_start3A_36] : memref<5x80xi32, #tpu.memory_space<vmem>> -> memref<1x80xi32, #tpu.memory_space<vmem>>
    %dma_start3A_38 = tpu.memref_squeeze %dma_start3A_37 : memref<1x80xi32, #tpu.memory_space<vmem>> -> memref<80xi32, #tpu.memory_space<vmem>>
    %dma_start3A_39 = tpu.memref_slice %arg3[%add3A_16] : memref<320000xi32, #tpu.memory_space<hbm>> -> memref<80xi32, #tpu.memory_space<hbm>>
    tpu.enqueue_dma source(%dma_start3A_39 : memref<80xi32, #tpu.memory_space<hbm>>) target(%dma_start3A_38 : memref<80xi32, #tpu.memory_space<vmem>>) target_semaphore(%dma_start3A_35 : memref<!tpu.dma_semaphore, #tpu.memory_space<semaphore_mem>>)
    %dma_start3A_40 = arith.constant 0 : i32
    %dma_start3A_41 = arith.constant 0 : i32
    %dma_start3A_42 = arith.constant 0 : i32
    %dma_start3A_43 = tpu.memref_slice %arg9[%dma_start3A_40, %dma_start3A_42] : memref<5x80xf32, #tpu.memory_space<vmem>> -> memref<1x80xf32, #tpu.memory_space<vmem>>
    %dma_start3A_44 = tpu.memref_squeeze %dma_start3A_43 : memref<1x80xf32, #tpu.memory_space<vmem>> -> memref<80xf32, #tpu.memory_space<vmem>>
    %dma_start3A_45 = tpu.memref_slice %arg4[%add3A_16] : memref<320000xf32, #tpu.memory_space<hbm>> -> memref<80xf32, #tpu.memory_space<hbm>>
    %dma_start3A_46 = tpu.memref_slice %arg12[%dma_start3A_41] : memref<5x!tpu.dma_semaphore, #tpu.memory_space<semaphore_mem>> -> memref<1x!tpu.dma_semaphore, #tpu.memory_space<semaphore_mem>>
    %dma_start3A_47 = tpu.memref_squeeze %dma_start3A_46 : memref<1x!tpu.dma_semaphore, #tpu.memory_space<semaphore_mem>> -> memref<!tpu.dma_semaphore, #tpu.memory_space<semaphore_mem>>
    %dma_start3A_48 = arith.constant 0 : i32
    %dma_start3A_49 = tpu.memref_slice %arg9[%dma_start3A_40, %dma_start3A_48] : memref<5x80xf32, #tpu.memory_space<vmem>> -> memref<1x80xf32, #tpu.memory_space<vmem>>
    %dma_start3A_50 = tpu.memref_squeeze %dma_start3A_49 : memref<1x80xf32, #tpu.memory_space<vmem>> -> memref<80xf32, #tpu.memory_space<vmem>>
    %dma_start3A_51 = tpu.memref_slice %arg4[%add3A_16] : memref<320000xf32, #tpu.memory_space<hbm>> -> memref<80xf32, #tpu.memory_space<hbm>>
    tpu.enqueue_dma source(%dma_start3A_51 : memref<80xf32, #tpu.memory_space<hbm>>) target(%dma_start3A_50 : memref<80xf32, #tpu.memory_space<vmem>>) target_semaphore(%dma_start3A_47 : memref<!tpu.dma_semaphore, #tpu.memory_space<semaphore_mem>>)
    %add3A_52 = arith.constant 80 : i32
    %add3A_53 = arith.addi %mul3A_2, %add3A_52 : i32
    %dma_start3A_54 = arith.constant 1 : i32
    %dma_start3A_55 = arith.constant 1 : i32
    %dma_start3A_56 = arith.constant 0 : i32
    %dma_start3A_57 = tpu.memref_slice %arg7[%dma_start3A_54, %dma_start3A_56] : memref<5x80xi32, #tpu.memory_space<vmem>> -> memref<1x80xi32, #tpu.memory_space<vmem>>
    %dma_start3A_58 = tpu.memref_squeeze %dma_start3A_57 : memref<1x80xi32, #tpu.memory_space<vmem>> -> memref<80xi32, #tpu.memory_space<vmem>>
    %dma_start3A_59 = tpu.memref_slice %arg2[%add3A_53] : memref<320000xi32, #tpu.memory_space<hbm>> -> memref<80xi32, #tpu.memory_space<hbm>>
    %dma_start3A_60 = tpu.memref_slice %arg12[%dma_start3A_55] : memref<5x!tpu.dma_semaphore, #tpu.memory_space<semaphore_mem>> -> memref<1x!tpu.dma_semaphore, #tpu.memory_space<semaphore_mem>>
    %dma_start3A_61 = tpu.memref_squeeze %dma_start3A_60 : memref<1x!tpu.dma_semaphore, #tpu.memory_space<semaphore_mem>> -> memref<!tpu.dma_semaphore, #tpu.memory_space<semaphore_mem>>
    %dma_start3A_62 = arith.constant 0 : i32
    %dma_start3A_63 = tpu.memref_slice %arg7[%dma_start3A_54, %dma_start3A_62] : memref<5x80xi32, #tpu.memory_space<vmem>> -> memref<1x80xi32, #tpu.memory_space<vmem>>
    %dma_start3A_64 = tpu.memref_squeeze %dma_start3A_63 : memref<1x80xi32, #tpu.memory_space<vmem>> -> memref<80xi32, #tpu.memory_space<vmem>>
    %dma_start3A_65 = tpu.memref_slice %arg2[%add3A_53] : memref<320000xi32, #tpu.memory_space<hbm>> -> memref<80xi32, #tpu.memory_space<hbm>>
    tpu.enqueue_dma source(%dma_start3A_65 : memref<80xi32, #tpu.memory_space<hbm>>) target(%dma_start3A_64 : memref<80xi32, #tpu.memory_space<vmem>>) target_semaphore(%dma_start3A_61 : memref<!tpu.dma_semaphore, #tpu.memory_space<semaphore_mem>>)
    %dma_start3A_66 = arith.constant 1 : i32
    %dma_start3A_67 = arith.constant 1 : i32
    %dma_start3A_68 = arith.constant 0 : i32
    %dma_start3A_69 = tpu.memref_slice %arg8[%dma_start3A_66, %dma_start3A_68] : memref<5x80xi32, #tpu.memory_space<vmem>> -> memref<1x80xi32, #tpu.memory_space<vmem>>
    %dma_start3A_70 = tpu.memref_squeeze %dma_start3A_69 : memref<1x80xi32, #tpu.memory_space<vmem>> -> memref<80xi32, #tpu.memory_space<vmem>>
    %dma_start3A_71 = tpu.memref_slice %arg3[%add3A_53] : memref<320000xi32, #tpu.memory_space<hbm>> -> memref<80xi32, #tpu.memory_space<hbm>>
    %dma_start3A_72 = tpu.memref_slice %arg12[%dma_start3A_67] : memref<5x!tpu.dma_semaphore, #tpu.memory_space<semaphore_mem>> -> memref<1x!tpu.dma_semaphore, #tpu.memory_space<semaphore_mem>>
    %dma_start3A_73 = tpu.memref_squeeze %dma_start3A_72 : memref<1x!tpu.dma_semaphore, #tpu.memory_space<semaphore_mem>> -> memref<!tpu.dma_semaphore, #tpu.memory_space<semaphore_mem>>
    %dma_start3A_74 = arith.constant 0 : i32
    %dma_start3A_75 = tpu.memref_slice %arg8[%dma_start3A_66, %dma_start3A_74] : memref<5x80xi32, #tpu.memory_space<vmem>> -> memref<1x80xi32, #tpu.memory_space<vmem>>
    %dma_start3A_76 = tpu.memref_squeeze %dma_start3A_75 : memref<1x80xi32, #tpu.memory_space<vmem>> -> memref<80xi32, #tpu.memory_space<vmem>>
    %dma_start3A_77 = tpu.memref_slice %arg3[%add3A_53] : memref<320000xi32, #tpu.memory_space<hbm>> -> memref<80xi32, #tpu.memory_space<hbm>>
    tpu.enqueue_dma source(%dma_start3A_77 : memref<80xi32, #tpu.memory_space<hbm>>) target(%dma_start3A_76 : memref<80xi32, #tpu.memory_space<vmem>>) target_semaphore(%dma_start3A_73 : memref<!tpu.dma_semaphore, #tpu.memory_space<semaphore_mem>>)
    %dma_start3A_78 = arith.constant 1 : i32
    %dma_start3A_79 = arith.constant 1 : i32
    %dma_start3A_80 = arith.constant 0 : i32
    %dma_start3A_81 = tpu.memref_slice %arg9[%dma_start3A_78, %dma_start3A_80] : memref<5x80xf32, #tpu.memory_space<vmem>> -> memref<1x80xf32, #tpu.memory_space<vmem>>
    %dma_start3A_82 = tpu.memref_squeeze %dma_start3A_81 : memref<1x80xf32, #tpu.memory_space<vmem>> -> memref<80xf32, #tpu.memory_space<vmem>>
    %dma_start3A_83 = tpu.memref_slice %arg4[%add3A_53] : memref<320000xf32, #tpu.memory_space<hbm>> -> memref<80xf32, #tpu.memory_space<hbm>>
    %dma_start3A_84 = tpu.memref_slice %arg12[%dma_start3A_79] : memref<5x!tpu.dma_semaphore, #tpu.memory_space<semaphore_mem>> -> memref<1x!tpu.dma_semaphore, #tpu.memory_space<semaphore_mem>>
    %dma_start3A_85 = tpu.memref_squeeze %dma_start3A_84 : memref<1x!tpu.dma_semaphore, #tpu.memory_space<semaphore_mem>> -> memref<!tpu.dma_semaphore, #tpu.memory_space<semaphore_mem>>
    %dma_start3A_86 = arith.constant 0 : i32
    %dma_start3A_87 = tpu.memref_slice %arg9[%dma_start3A_78, %dma_start3A_86] : memref<5x80xf32, #tpu.memory_space<vmem>> -> memref<1x80xf32, #tpu.memory_space<vmem>>
    %dma_start3A_88 = tpu.memref_squeeze %dma_start3A_87 : memref<1x80xf32, #tpu.memory_space<vmem>> -> memref<80xf32, #tpu.memory_space<vmem>>
    %dma_start3A_89 = tpu.memref_slice %arg4[%add3A_53] : memref<320000xf32, #tpu.memory_space<hbm>> -> memref<80xf32, #tpu.memory_space<hbm>>
    tpu.enqueue_dma source(%dma_start3A_89 : memref<80xf32, #tpu.memory_space<hbm>>) target(%dma_start3A_88 : memref<80xf32, #tpu.memory_space<vmem>>) target_semaphore(%dma_start3A_85 : memref<!tpu.dma_semaphore, #tpu.memory_space<semaphore_mem>>)
    %add3A_90 = arith.constant 160 : i32
    %add3A_91 = arith.addi %mul3A_2, %add3A_90 : i32
    %dma_start3A_92 = arith.constant 2 : i32
    %dma_start3A_93 = arith.constant 2 : i32
    %dma_start3A_94 = arith.constant 0 : i32
    %dma_start3A_95 = tpu.memref_slice %arg7[%dma_start3A_92, %dma_start3A_94] : memref<5x80xi32, #tpu.memory_space<vmem>> -> memref<1x80xi32, #tpu.memory_space<vmem>>
    %dma_start3A_96 = tpu.memref_squeeze %dma_start3A_95 : memref<1x80xi32, #tpu.memory_space<vmem>> -> memref<80xi32, #tpu.memory_space<vmem>>
    %dma_start3A_97 = tpu.memref_slice %arg2[%add3A_91] : memref<320000xi32, #tpu.memory_space<hbm>> -> memref<80xi32, #tpu.memory_space<hbm>>
    %dma_start3A_98 = tpu.memref_slice %arg12[%dma_start3A_93] : memref<5x!tpu.dma_semaphore, #tpu.memory_space<semaphore_mem>> -> memref<1x!tpu.dma_semaphore, #tpu.memory_space<semaphore_mem>>
    %dma_start3A_99 = tpu.memref_squeeze %dma_start3A_98 : memref<1x!tpu.dma_semaphore, #tpu.memory_space<semaphore_mem>> -> memref<!tpu.dma_semaphore, #tpu.memory_space<semaphore_mem>>
    %dma_start3A_100 = arith.constant 0 : i32
    %dma_start3A_101 = tpu.memref_slice %arg7[%dma_start3A_92, %dma_start3A_100] : memref<5x80xi32, #tpu.memory_space<vmem>> -> memref<1x80xi32, #tpu.memory_space<vmem>>
    %dma_start3A_102 = tpu.memref_squeeze %dma_start3A_101 : memref<1x80xi32, #tpu.memory_space<vmem>> -> memref<80xi32, #tpu.memory_space<vmem>>
    %dma_start3A_103 = tpu.memref_slice %arg2[%add3A_91] : memref<320000xi32, #tpu.memory_space<hbm>> -> memref<80xi32, #tpu.memory_space<hbm>>
    tpu.enqueue_dma source(%dma_start3A_103 : memref<80xi32, #tpu.memory_space<hbm>>) target(%dma_start3A_102 : memref<80xi32, #tpu.memory_space<vmem>>) target_semaphore(%dma_start3A_99 : memref<!tpu.dma_semaphore, #tpu.memory_space<semaphore_mem>>)
    %dma_start3A_104 = arith.constant 2 : i32
    %dma_start3A_105 = arith.constant 2 : i32
    %dma_start3A_106 = arith.constant 0 : i32
    %dma_start3A_107 = tpu.memref_slice %arg8[%dma_start3A_104, %dma_start3A_106] : memref<5x80xi32, #tpu.memory_space<vmem>> -> memref<1x80xi32, #tpu.memory_space<vmem>>
    %dma_start3A_108 = tpu.memref_squeeze %dma_start3A_107 : memref<1x80xi32, #tpu.memory_space<vmem>> -> memref<80xi32, #tpu.memory_space<vmem>>
    %dma_start3A_109 = tpu.memref_slice %arg3[%add3A_91] : memref<320000xi32, #tpu.memory_space<hbm>> -> memref<80xi32, #tpu.memory_space<hbm>>
    %dma_start3A_110 = tpu.memref_slice %arg12[%dma_start3A_105] : memref<5x!tpu.dma_semaphore, #tpu.memory_space<semaphore_mem>> -> memref<1x!tpu.dma_semaphore, #tpu.memory_space<semaphore_mem>>
    %dma_start3A_111 = tpu.memref_squeeze %dma_start3A_110 : memref<1x!tpu.dma_semaphore, #tpu.memory_space<semaphore_mem>> -> memref<!tpu.dma_semaphore, #tpu.memory_space<semaphore_mem>>
    %dma_start3A_112 = arith.constant 0 : i32
    %dma_start3A_113 = tpu.memref_slice %arg8[%dma_start3A_104, %dma_start3A_112] : memref<5x80xi32, #tpu.memory_space<vmem>> -> memref<1x80xi32, #tpu.memory_space<vmem>>
    %dma_start3A_114 = tpu.memref_squeeze %dma_start3A_113 : memref<1x80xi32, #tpu.memory_space<vmem>> -> memref<80xi32, #tpu.memory_space<vmem>>
    %dma_start3A_115 = tpu.memref_slice %arg3[%add3A_91] : memref<320000xi32, #tpu.memory_space<hbm>> -> memref<80xi32, #tpu.memory_space<hbm>>
    tpu.enqueue_dma source(%dma_start3A_115 : memref<80xi32, #tpu.memory_space<hbm>>) target(%dma_start3A_114 : memref<80xi32, #tpu.memory_space<vmem>>) target_semaphore(%dma_start3A_111 : memref<!tpu.dma_semaphore, #tpu.memory_space<semaphore_mem>>)
    %dma_start3A_116 = arith.constant 2 : i32
    %dma_start3A_117 = arith.constant 2 : i32
    %dma_start3A_118 = arith.constant 0 : i32
    %dma_start3A_119 = tpu.memref_slice %arg9[%dma_start3A_116, %dma_start3A_118] : memref<5x80xf32, #tpu.memory_space<vmem>> -> memref<1x80xf32, #tpu.memory_space<vmem>>
    %dma_start3A_120 = tpu.memref_squeeze %dma_start3A_119 : memref<1x80xf32, #tpu.memory_space<vmem>> -> memref<80xf32, #tpu.memory_space<vmem>>
    %dma_start3A_121 = tpu.memref_slice %arg4[%add3A_91] : memref<320000xf32, #tpu.memory_space<hbm>> -> memref<80xf32, #tpu.memory_space<hbm>>
    %dma_start3A_122 = tpu.memref_slice %arg12[%dma_start3A_117] : memref<5x!tpu.dma_semaphore, #tpu.memory_space<semaphore_mem>> -> memref<1x!tpu.dma_semaphore, #tpu.memory_space<semaphore_mem>>
    %dma_start3A_123 = tpu.memref_squeeze %dma_start3A_122 : memref<1x!tpu.dma_semaphore, #tpu.memory_space<semaphore_mem>> -> memref<!tpu.dma_semaphore, #tpu.memory_space<semaphore_mem>>
    %dma_start3A_124 = arith.constant 0 : i32
    %dma_start3A_125 = tpu.memref_slice %arg9[%dma_start3A_116, %dma_start3A_124] : memref<5x80xf32, #tpu.memory_space<vmem>> -> memref<1x80xf32, #tpu.memory_space<vmem>>
    %dma_start3A_126 = tpu.memref_squeeze %dma_start3A_125 : memref<1x80xf32, #tpu.memory_space<vmem>> -> memref<80xf32, #tpu.memory_space<vmem>>
    %dma_start3A_127 = tpu.memref_slice %arg4[%add3A_91] : memref<320000xf32, #tpu.memory_space<hbm>> -> memref<80xf32, #tpu.memory_space<hbm>>
    tpu.enqueue_dma source(%dma_start3A_127 : memref<80xf32, #tpu.memory_space<hbm>>) target(%dma_start3A_126 : memref<80xf32, #tpu.memory_space<vmem>>) target_semaphore(%dma_start3A_123 : memref<!tpu.dma_semaphore, #tpu.memory_space<semaphore_mem>>)
    %dma_wait3A = arith.constant 0 : i32
    %dma_wait3A_128 = arith.constant 0 : i32
    %dma_wait3A_129 = arith.constant 0 : i32
    %dma_wait3A_130 = tpu.memref_slice %arg7[%dma_wait3A, %dma_wait3A_129] : memref<5x80xi32, #tpu.memory_space<vmem>> -> memref<1x80xi32, #tpu.memory_space<vmem>>
    %dma_wait3A_131 = tpu.memref_squeeze %dma_wait3A_130 : memref<1x80xi32, #tpu.memory_space<vmem>> -> memref<80xi32, #tpu.memory_space<vmem>>
    %dma_wait3A_132 = arith.constant 0 : i32
    %dma_wait3A_133 = tpu.memref_slice %arg2[%dma_wait3A_132] : memref<320000xi32, #tpu.memory_space<hbm>> -> memref<80xi32, #tpu.memory_space<hbm>>
    %dma_wait3A_134 = tpu.memref_slice %arg12[%dma_wait3A_128] : memref<5x!tpu.dma_semaphore, #tpu.memory_space<semaphore_mem>> -> memref<1x!tpu.dma_semaphore, #tpu.memory_space<semaphore_mem>>
    %dma_wait3A_135 = tpu.memref_squeeze %dma_wait3A_134 : memref<1x!tpu.dma_semaphore, #tpu.memory_space<semaphore_mem>> -> memref<!tpu.dma_semaphore, #tpu.memory_space<semaphore_mem>>
    %dma_wait3A_136 = arith.constant 0 : i32
    %dma_wait3A_137 = tpu.memref_slice %arg7[%dma_wait3A, %dma_wait3A_136] : memref<5x80xi32, #tpu.memory_space<vmem>> -> memref<1x80xi32, #tpu.memory_space<vmem>>
    %dma_wait3A_138 = tpu.memref_squeeze %dma_wait3A_137 : memref<1x80xi32, #tpu.memory_space<vmem>> -> memref<80xi32, #tpu.memory_space<vmem>>
    %dma_wait3A_139 = arith.constant 0 : i32
    %dma_wait3A_140 = tpu.memref_slice %arg2[%dma_wait3A_139] : memref<320000xi32, #tpu.memory_space<hbm>> -> memref<80xi32, #tpu.memory_space<hbm>>
    tpu.wait_dma2 semaphore(%dma_wait3A_135 : memref<!tpu.dma_semaphore, #tpu.memory_space<semaphore_mem>>) src(%dma_wait3A_140 : memref<80xi32, #tpu.memory_space<hbm>>) dst(%dma_wait3A_138 : memref<80xi32, #tpu.memory_space<vmem>>)
    %dma_wait3A_141 = arith.constant 0 : i32
    %dma_wait3A_142 = arith.constant 0 : i32
    %dma_wait3A_143 = arith.constant 0 : i32
    %dma_wait3A_144 = tpu.memref_slice %arg8[%dma_wait3A_141, %dma_wait3A_143] : memref<5x80xi32, #tpu.memory_space<vmem>> -> memref<1x80xi32, #tpu.memory_space<vmem>>
    %dma_wait3A_145 = tpu.memref_squeeze %dma_wait3A_144 : memref<1x80xi32, #tpu.memory_space<vmem>> -> memref<80xi32, #tpu.memory_space<vmem>>
    %dma_wait3A_146 = arith.constant 0 : i32
    %dma_wait3A_147 = tpu.memref_slice %arg3[%dma_wait3A_146] : memref<320000xi32, #tpu.memory_space<hbm>> -> memref<80xi32, #tpu.memory_space<hbm>>
    %dma_wait3A_148 = tpu.memref_slice %arg12[%dma_wait3A_142] : memref<5x!tpu.dma_semaphore, #tpu.memory_space<semaphore_mem>> -> memref<1x!tpu.dma_semaphore, #tpu.memory_space<semaphore_mem>>
    %dma_wait3A_149 = tpu.memref_squeeze %dma_wait3A_148 : memref<1x!tpu.dma_semaphore, #tpu.memory_space<semaphore_mem>> -> memref<!tpu.dma_semaphore, #tpu.memory_space<semaphore_mem>>
    %dma_wait3A_150 = arith.constant 0 : i32
    %dma_wait3A_151 = tpu.memref_slice %arg8[%dma_wait3A_141, %dma_wait3A_150] : memref<5x80xi32, #tpu.memory_space<vmem>> -> memref<1x80xi32, #tpu.memory_space<vmem>>
    %dma_wait3A_152 = tpu.memref_squeeze %dma_wait3A_151 : memref<1x80xi32, #tpu.memory_space<vmem>> -> memref<80xi32, #tpu.memory_space<vmem>>
    %dma_wait3A_153 = arith.constant 0 : i32
    %dma_wait3A_154 = tpu.memref_slice %arg3[%dma_wait3A_153] : memref<320000xi32, #tpu.memory_space<hbm>> -> memref<80xi32, #tpu.memory_space<hbm>>
    tpu.wait_dma2 semaphore(%dma_wait3A_149 : memref<!tpu.dma_semaphore, #tpu.memory_space<semaphore_mem>>) src(%dma_wait3A_154 : memref<80xi32, #tpu.memory_space<hbm>>) dst(%dma_wait3A_152 : memref<80xi32, #tpu.memory_space<vmem>>)
    %dma_wait3A_155 = arith.constant 0 : i32
    %dma_wait3A_156 = arith.constant 0 : i32
    %dma_wait3A_157 = arith.constant 0 : i32
    %dma_wait3A_158 = tpu.memref_slice %arg9[%dma_wait3A_155, %dma_wait3A_157] : memref<5x80xf32, #tpu.memory_space<vmem>> -> memref<1x80xf32, #tpu.memory_space<vmem>>
    %dma_wait3A_159 = tpu.memref_squeeze %dma_wait3A_158 : memref<1x80xf32, #tpu.memory_space<vmem>> -> memref<80xf32, #tpu.memory_space<vmem>>
    %dma_wait3A_160 = arith.constant 0 : i32
    %dma_wait3A_161 = tpu.memref_slice %arg4[%dma_wait3A_160] : memref<320000xf32, #tpu.memory_space<hbm>> -> memref<80xf32, #tpu.memory_space<hbm>>
    %dma_wait3A_162 = tpu.memref_slice %arg12[%dma_wait3A_156] : memref<5x!tpu.dma_semaphore, #tpu.memory_space<semaphore_mem>> -> memref<1x!tpu.dma_semaphore, #tpu.memory_space<semaphore_mem>>
    %dma_wait3A_163 = tpu.memref_squeeze %dma_wait3A_162 : memref<1x!tpu.dma_semaphore, #tpu.memory_space<semaphore_mem>> -> memref<!tpu.dma_semaphore, #tpu.memory_space<semaphore_mem>>
    %dma_wait3A_164 = arith.constant 0 : i32
    %dma_wait3A_165 = tpu.memref_slice %arg9[%dma_wait3A_155, %dma_wait3A_164] : memref<5x80xf32, #tpu.memory_space<vmem>> -> memref<1x80xf32, #tpu.memory_space<vmem>>
    %dma_wait3A_166 = tpu.memref_squeeze %dma_wait3A_165 : memref<1x80xf32, #tpu.memory_space<vmem>> -> memref<80xf32, #tpu.memory_space<vmem>>
    %dma_wait3A_167 = arith.constant 0 : i32
    %dma_wait3A_168 = tpu.memref_slice %arg4[%dma_wait3A_167] : memref<320000xf32, #tpu.memory_space<hbm>> -> memref<80xf32, #tpu.memory_space<hbm>>
    tpu.wait_dma2 semaphore(%dma_wait3A_163 : memref<!tpu.dma_semaphore, #tpu.memory_space<semaphore_mem>>) src(%dma_wait3A_168 : memref<80xf32, #tpu.memory_space<hbm>>) dst(%dma_wait3A_166 : memref<80xf32, #tpu.memory_space<vmem>>)
    %dma_start3A_169 = arith.constant 0 : i32
    %dma_start3A_170 = arith.constant 0 : i32
    %dma_start3A_171 = arith.constant 0 : i32
    %dma_start3A_172 = arith.constant 0 : i32
    %dma_start3A_173 = arith.constant 0 : i32
    %dma_start3A_174 = tpu.memref_slice %arg10[%dma_start3A_170, %dma_start3A_172, %dma_start3A_173] : memref<3x80x128xf32, #tpu.memory_space<vmem>> -> memref<1x80x128xf32, #tpu.memory_space<vmem>>
    %dma_start3A_175 = tpu.memref_squeeze %dma_start3A_174 : memref<1x80x128xf32, #tpu.memory_space<vmem>> -> memref<80x128xf32, #tpu.memory_space<vmem>>
    %dma_start3A_176 = arith.constant 0 : i32
    %dma_start3A_177 = tpu.memref_slice %arg7[%dma_start3A_169, %dma_start3A_176] : memref<5x80xi32, #tpu.memory_space<vmem>> -> memref<1x80xi32, #tpu.memory_space<vmem>>
    %dma_start3A_178 = tpu.memref_squeeze %dma_start3A_177 : memref<1x80xi32, #tpu.memory_space<vmem>> -> memref<80xi32, #tpu.memory_space<vmem>>
    %dma_start3A_179 = arith.constant 0 : i32
    %dma_start3A_180 = arith.constant 0 : i32
    %dma_start3A_181 = tpu.memref_slice %arg5[%dma_start3A_179, %dma_start3A_180] : memref<10000x128xf32, #tpu.memory_space<hbm>> -> memref<10000x128xf32, #tpu.memory_space<hbm>>
    %dma_start3A_182 = tpu.memref_slice %arg13[%dma_start3A_171] : memref<3x!tpu.dma_semaphore, #tpu.memory_space<semaphore_mem>> -> memref<1x!tpu.dma_semaphore, #tpu.memory_space<semaphore_mem>>
    %dma_start3A_183 = tpu.memref_squeeze %dma_start3A_182 : memref<1x!tpu.dma_semaphore, #tpu.memory_space<semaphore_mem>> -> memref<!tpu.dma_semaphore, #tpu.memory_space<semaphore_mem>>
    tpu.enqueue_indirect_dma source(%dma_start3A_181 : memref<10000x128xf32, #tpu.memory_space<hbm>>) target(%dma_start3A_175 : memref<80x128xf32, #tpu.memory_space<vmem>>) offsets(%dma_start3A_178 : memref<80xi32, #tpu.memory_space<vmem>>) semaphore(%dma_start3A_183 : memref<!tpu.dma_semaphore, #tpu.memory_space<semaphore_mem>>)
    %scan3A_184 = arith.constant 0 : i32
    %scan3A_185 = arith.constant 0 : i32
    %scan3A_186 = arith.constant 125 : i32
    %scan3A_187 = arith.addi %scan3A_185, %scan3A_186 : i32
    %scan3A_188 = arith.constant 1 : i32
    scf.for %scan3A_227 = %scan3A_185 to %scan3A_187 step %scan3A_188  : i32 {
      %rem3A = arith.constant 3 : i32
      %rem3A_228 = arith.remsi %scan3A_227, %rem3A : i32
      %rem3A_229 = arith.constant 5 : i32
      %rem3A_230 = arith.remsi %scan3A_227, %rem3A_229 : i32
      %ge3A = arith.constant 2 : i32
      %ge3A_231 = arith.cmpi sge, %scan3A_227, %ge3A : i32
      %convert_element_type3A = arith.extui %ge3A_231 : i1 to i32
      %cond3A = arith.constant 0 : i32
      %cond3A_232 = arith.cmpi ne, %convert_element_type3A, %cond3A : i32
      scf.if %cond3A_232 {
        %sub3A_274 = arith.constant 2 : i32
        %sub3A_275 = arith.subi %scan3A_227, %sub3A_274 : i32
        %rem3A_276 = arith.constant 3 : i32
        %rem3A_277 = arith.remsi %sub3A_275, %rem3A_276 : i32
        %dma_wait3A_278 = arith.constant 0 : i32
        %dma_wait3A_279 = arith.constant 0 : i32
        %dma_wait3A_280 = arith.constant 0 : i32
        %dma_wait3A_281 = tpu.memref_slice %arg10[%rem3A_277, %dma_wait3A_279, %dma_wait3A_280] : memref<3x80x128xf32, #tpu.memory_space<vmem>> -> memref<1x80x128xf32, #tpu.memory_space<vmem>>
        %dma_wait3A_282 = tpu.memref_squeeze %dma_wait3A_281 : memref<1x80x128xf32, #tpu.memory_space<vmem>> -> memref<80x128xf32, #tpu.memory_space<vmem>>
        %dma_wait3A_283 = arith.constant 0 : i32
        %dma_wait3A_284 = tpu.memref_slice %arg8[%dma_wait3A_278, %dma_wait3A_283] : memref<5x80xi32, #tpu.memory_space<vmem>> -> memref<1x80xi32, #tpu.memory_space<vmem>>
        %dma_wait3A_285 = tpu.memref_squeeze %dma_wait3A_284 : memref<1x80xi32, #tpu.memory_space<vmem>> -> memref<80xi32, #tpu.memory_space<vmem>>
        %dma_wait3A_286 = arith.constant 0 : i32
        %dma_wait3A_287 = arith.constant 0 : i32
        %dma_wait3A_288 = tpu.memref_slice %arg11[%dma_wait3A_286, %dma_wait3A_287] : memref<10000x128xf32, #tpu.memory_space<vmem_shared>> -> memref<10000x128xf32, #tpu.memory_space<vmem_shared>>
        %dma_wait3A_289 = tpu.memref_slice %arg14[%rem3A_277] : memref<3x!tpu.dma_semaphore, #tpu.memory_space<semaphore_mem>> -> memref<1x!tpu.dma_semaphore, #tpu.memory_space<semaphore_mem>>
        %dma_wait3A_290 = tpu.memref_squeeze %dma_wait3A_289 : memref<1x!tpu.dma_semaphore, #tpu.memory_space<semaphore_mem>> -> memref<!tpu.dma_semaphore, #tpu.memory_space<semaphore_mem>>
        tpu.wait_indirect_dma semaphore(%dma_wait3A_290 : memref<!tpu.dma_semaphore, #tpu.memory_space<semaphore_mem>>) src(%dma_wait3A_282 : memref<80x128xf32, #tpu.memory_space<vmem>>) dst(%dma_wait3A_288 : memref<10000x128xf32, #tpu.memory_space<vmem_shared>>)
      } else {
      }
      %add3A_233 = arith.constant 1 : i32
      %add3A_234 = arith.addi %scan3A_227, %add3A_233 : i32
      %lt3A = arith.constant 125 : i32
      %lt3A_235 = arith.cmpi slt, %add3A_234, %lt3A : i32
      %convert_element_type3A_236 = arith.extui %lt3A_235 : i1 to i32
      %cond3A_237 = arith.constant 0 : i32
      %cond3A_238 = arith.cmpi ne, %convert_element_type3A_236, %cond3A_237 : i32
      scf.if %cond3A_238 {
        %add3A_274 = arith.constant 1 : i32
        %add3A_275 = arith.addi %scan3A_227, %add3A_274 : i32
        %rem3A_276 = arith.constant 5 : i32
        %rem3A_277 = arith.remsi %add3A_275, %rem3A_276 : i32
        %dma_wait3A_278 = arith.constant 0 : i32
        %dma_wait3A_279 = tpu.memref_slice %arg7[%rem3A_277, %dma_wait3A_278] : memref<5x80xi32, #tpu.memory_space<vmem>> -> memref<1x80xi32, #tpu.memory_space<vmem>>
        %dma_wait3A_280 = tpu.memref_squeeze %dma_wait3A_279 : memref<1x80xi32, #tpu.memory_space<vmem>> -> memref<80xi32, #tpu.memory_space<vmem>>
        %dma_wait3A_281 = arith.constant 0 : i32
        %dma_wait3A_282 = tpu.memref_slice %arg2[%dma_wait3A_281] : memref<320000xi32, #tpu.memory_space<hbm>> -> memref<80xi32, #tpu.memory_space<hbm>>
        %dma_wait3A_283 = tpu.memref_slice %arg12[%rem3A_277] : memref<5x!tpu.dma_semaphore, #tpu.memory_space<semaphore_mem>> -> memref<1x!tpu.dma_semaphore, #tpu.memory_space<semaphore_mem>>
        %dma_wait3A_284 = tpu.memref_squeeze %dma_wait3A_283 : memref<1x!tpu.dma_semaphore, #tpu.memory_space<semaphore_mem>> -> memref<!tpu.dma_semaphore, #tpu.memory_space<semaphore_mem>>
        %dma_wait3A_285 = arith.constant 0 : i32
        %dma_wait3A_286 = tpu.memref_slice %arg7[%rem3A_277, %dma_wait3A_285] : memref<5x80xi32, #tpu.memory_space<vmem>> -> memref<1x80xi32, #tpu.memory_space<vmem>>
        %dma_wait3A_287 = tpu.memref_squeeze %dma_wait3A_286 : memref<1x80xi32, #tpu.memory_space<vmem>> -> memref<80xi32, #tpu.memory_space<vmem>>
        %dma_wait3A_288 = arith.constant 0 : i32
        %dma_wait3A_289 = tpu.memref_slice %arg2[%dma_wait3A_288] : memref<320000xi32, #tpu.memory_space<hbm>> -> memref<80xi32, #tpu.memory_space<hbm>>
        tpu.wait_dma2 semaphore(%dma_wait3A_284 : memref<!tpu.dma_semaphore, #tpu.memory_space<semaphore_mem>>) src(%dma_wait3A_289 : memref<80xi32, #tpu.memory_space<hbm>>) dst(%dma_wait3A_287 : memref<80xi32, #tpu.memory_space<vmem>>)
        %dma_wait3A_290 = arith.constant 0 : i32
        %dma_wait3A_291 = tpu.memref_slice %arg8[%rem3A_277, %dma_wait3A_290] : memref<5x80xi32, #tpu.memory_space<vmem>> -> memref<1x80xi32, #tpu.memory_space<vmem>>
        %dma_wait3A_292 = tpu.memref_squeeze %dma_wait3A_291 : memref<1x80xi32, #tpu.memory_space<vmem>> -> memref<80xi32, #tpu.memory_space<vmem>>
        %dma_wait3A_293 = arith.constant 0 : i32
        %dma_wait3A_294 = tpu.memref_slice %arg3[%dma_wait3A_293] : memref<320000xi32, #tpu.memory_space<hbm>> -> memref<80xi32, #tpu.memory_space<hbm>>
        %dma_wait3A_295 = tpu.memref_slice %arg12[%rem3A_277] : memref<5x!tpu.dma_semaphore, #tpu.memory_space<semaphore_mem>> -> memref<1x!tpu.dma_semaphore, #tpu.memory_space<semaphore_mem>>
        %dma_wait3A_296 = tpu.memref_squeeze %dma_wait3A_295 : memref<1x!tpu.dma_semaphore, #tpu.memory_space<semaphore_mem>> -> memref<!tpu.dma_semaphore, #tpu.memory_space<semaphore_mem>>
        %dma_wait3A_297 = arith.constant 0 : i32
        %dma_wait3A_298 = tpu.memref_slice %arg8[%rem3A_277, %dma_wait3A_297] : memref<5x80xi32, #tpu.memory_space<vmem>> -> memref<1x80xi32, #tpu.memory_space<vmem>>
        %dma_wait3A_299 = tpu.memref_squeeze %dma_wait3A_298 : memref<1x80xi32, #tpu.memory_space<vmem>> -> memref<80xi32, #tpu.memory_space<vmem>>
        %dma_wait3A_300 = arith.constant 0 : i32
        %dma_wait3A_301 = tpu.memref_slice %arg3[%dma_wait3A_300] : memref<320000xi32, #tpu.memory_space<hbm>> -> memref<80xi32, #tpu.memory_space<hbm>>
        tpu.wait_dma2 semaphore(%dma_wait3A_296 : memref<!tpu.dma_semaphore, #tpu.memory_space<semaphore_mem>>) src(%dma_wait3A_301 : memref<80xi32, #tpu.memory_space<hbm>>) dst(%dma_wait3A_299 : memref<80xi32, #tpu.memory_space<vmem>>)
        %dma_wait3A_302 = arith.constant 0 : i32
        %dma_wait3A_303 = tpu.memref_slice %arg9[%rem3A_277, %dma_wait3A_302] : memref<5x80xf32, #tpu.memory_space<vmem>> -> memref<1x80xf32, #tpu.memory_space<vmem>>
        %dma_wait3A_304 = tpu.memref_squeeze %dma_wait3A_303 : memref<1x80xf32, #tpu.memory_space<vmem>> -> memref<80xf32, #tpu.memory_space<vmem>>
        %dma_wait3A_305 = arith.constant 0 : i32
        %dma_wait3A_306 = tpu.memref_slice %arg4[%dma_wait3A_305] : memref<320000xf32, #tpu.memory_space<hbm>> -> memref<80xf32, #tpu.memory_space<hbm>>
        %dma_wait3A_307 = tpu.memref_slice %arg12[%rem3A_277] : memref<5x!tpu.dma_semaphore, #tpu.memory_space<semaphore_mem>> -> memref<1x!tpu.dma_semaphore, #tpu.memory_space<semaphore_mem>>
        %dma_wait3A_308 = tpu.memref_squeeze %dma_wait3A_307 : memref<1x!tpu.dma_semaphore, #tpu.memory_space<semaphore_mem>> -> memref<!tpu.dma_semaphore, #tpu.memory_space<semaphore_mem>>
        %dma_wait3A_309 = arith.constant 0 : i32
        %dma_wait3A_310 = tpu.memref_slice %arg9[%rem3A_277, %dma_wait3A_309] : memref<5x80xf32, #tpu.memory_space<vmem>> -> memref<1x80xf32, #tpu.memory_space<vmem>>
        %dma_wait3A_311 = tpu.memref_squeeze %dma_wait3A_310 : memref<1x80xf32, #tpu.memory_space<vmem>> -> memref<80xf32, #tpu.memory_space<vmem>>
        %dma_wait3A_312 = arith.constant 0 : i32
        %dma_wait3A_313 = tpu.memref_slice %arg4[%dma_wait3A_312] : memref<320000xf32, #tpu.memory_space<hbm>> -> memref<80xf32, #tpu.memory_space<hbm>>
        tpu.wait_dma2 semaphore(%dma_wait3A_308 : memref<!tpu.dma_semaphore, #tpu.memory_space<semaphore_mem>>) src(%dma_wait3A_313 : memref<80xf32, #tpu.memory_space<hbm>>) dst(%dma_wait3A_311 : memref<80xf32, #tpu.memory_space<vmem>>)
        %add3A_314 = arith.constant 1 : i32
        %add3A_315 = arith.addi %scan3A_227, %add3A_314 : i32
        %rem3A_316 = arith.constant 3 : i32
        %rem3A_317 = arith.remsi %add3A_315, %rem3A_316 : i32
        %dma_start3A_318 = arith.constant 0 : i32
        %dma_start3A_319 = arith.constant 0 : i32
        %dma_start3A_320 = tpu.memref_slice %arg10[%rem3A_317, %dma_start3A_318, %dma_start3A_319] : memref<3x80x128xf32, #tpu.memory_space<vmem>> -> memref<1x80x128xf32, #tpu.memory_space<vmem>>
        %dma_start3A_321 = tpu.memref_squeeze %dma_start3A_320 : memref<1x80x128xf32, #tpu.memory_space<vmem>> -> memref<80x128xf32, #tpu.memory_space<vmem>>
        %dma_start3A_322 = arith.constant 0 : i32
        %dma_start3A_323 = tpu.memref_slice %arg7[%rem3A_277, %dma_start3A_322] : memref<5x80xi32, #tpu.memory_space<vmem>> -> memref<1x80xi32, #tpu.memory_space<vmem>>
        %dma_start3A_324 = tpu.memref_squeeze %dma_start3A_323 : memref<1x80xi32, #tpu.memory_space<vmem>> -> memref<80xi32, #tpu.memory_space<vmem>>
        %dma_start3A_325 = arith.constant 0 : i32
        %dma_start3A_326 = arith.constant 0 : i32
        %dma_start3A_327 = tpu.memref_slice %arg5[%dma_start3A_325, %dma_start3A_326] : memref<10000x128xf32, #tpu.memory_space<hbm>> -> memref<10000x128xf32, #tpu.memory_space<hbm>>
        %dma_start3A_328 = tpu.memref_slice %arg13[%rem3A_317] : memref<3x!tpu.dma_semaphore, #tpu.memory_space<semaphore_mem>> -> memref<1x!tpu.dma_semaphore, #tpu.memory_space<semaphore_mem>>
        %dma_start3A_329 = tpu.memref_squeeze %dma_start3A_328 : memref<1x!tpu.dma_semaphore, #tpu.memory_space<semaphore_mem>> -> memref<!tpu.dma_semaphore, #tpu.memory_space<semaphore_mem>>
        tpu.enqueue_indirect_dma source(%dma_start3A_327 : memref<10000x128xf32, #tpu.memory_space<hbm>>) target(%dma_start3A_321 : memref<80x128xf32, #tpu.memory_space<vmem>>) offsets(%dma_start3A_324 : memref<80xi32, #tpu.memory_space<vmem>>) semaphore(%dma_start3A_329 : memref<!tpu.dma_semaphore, #tpu.memory_space<semaphore_mem>>)
      } else {
      }
      %add3A_239 = arith.constant 5 : i32
      %add3A_240 = arith.addi %scan3A_227, %add3A_239 : i32
      %sub3A = arith.constant 2 : i32
      %sub3A_241 = arith.subi %add3A_240, %sub3A : i32
      %lt3A_242 = arith.constant 125 : i32
      %lt3A_243 = arith.cmpi slt, %sub3A_241, %lt3A_242 : i32
      %convert_element_type3A_244 = arith.extui %lt3A_243 : i1 to i32
      %cond3A_245 = arith.constant 0 : i32
      %cond3A_246 = arith.cmpi ne, %convert_element_type3A_244, %cond3A_245 : i32
      scf.if %cond3A_246 {
        %add3A_274 = arith.constant 5 : i32
        %add3A_275 = arith.addi %scan3A_227, %add3A_274 : i32
        %sub3A_276 = arith.constant 2 : i32
        %sub3A_277 = arith.subi %add3A_275, %sub3A_276 : i32
        %add3A_278 = arith.constant 5 : i32
        %add3A_279 = arith.addi %scan3A_227, %add3A_278 : i32
        %sub3A_280 = arith.constant 2 : i32
        %sub3A_281 = arith.subi %add3A_279, %sub3A_280 : i32
        %rem3A_282 = arith.constant 5 : i32
        %rem3A_283 = arith.remsi %sub3A_281, %rem3A_282 : i32
        %mul3A_284 = arith.constant 80 : i32
        %mul3A_285 = arith.muli %sub3A_277, %mul3A_284 : i32
        %add3A_286 = arith.addi %mul3A_2, %mul3A_285 : i32
        %dma_start3A_287 = arith.constant 0 : i32
        %dma_start3A_288 = tpu.memref_slice %arg7[%rem3A_283, %dma_start3A_287] : memref<5x80xi32, #tpu.memory_space<vmem>> -> memref<1x80xi32, #tpu.memory_space<vmem>>
        %dma_start3A_289 = tpu.memref_squeeze %dma_start3A_288 : memref<1x80xi32, #tpu.memory_space<vmem>> -> memref<80xi32, #tpu.memory_space<vmem>>
        %dma_start3A_290 = tpu.memref_slice %arg2[%add3A_286] : memref<320000xi32, #tpu.memory_space<hbm>> -> memref<80xi32, #tpu.memory_space<hbm>>
        %dma_start3A_291 = tpu.memref_slice %arg12[%rem3A_283] : memref<5x!tpu.dma_semaphore, #tpu.memory_space<semaphore_mem>> -> memref<1x!tpu.dma_semaphore, #tpu.memory_space<semaphore_mem>>
        %dma_start3A_292 = tpu.memref_squeeze %dma_start3A_291 : memref<1x!tpu.dma_semaphore, #tpu.memory_space<semaphore_mem>> -> memref<!tpu.dma_semaphore, #tpu.memory_space<semaphore_mem>>
        %dma_start3A_293 = arith.constant 0 : i32
        %dma_start3A_294 = tpu.memref_slice %arg7[%rem3A_283, %dma_start3A_293] : memref<5x80xi32, #tpu.memory_space<vmem>> -> memref<1x80xi32, #tpu.memory_space<vmem>>
        %dma_start3A_295 = tpu.memref_squeeze %dma_start3A_294 : memref<1x80xi32, #tpu.memory_space<vmem>> -> memref<80xi32, #tpu.memory_space<vmem>>
        %dma_start3A_296 = tpu.memref_slice %arg2[%add3A_286] : memref<320000xi32, #tpu.memory_space<hbm>> -> memref<80xi32, #tpu.memory_space<hbm>>
        tpu.enqueue_dma source(%dma_start3A_296 : memref<80xi32, #tpu.memory_space<hbm>>) target(%dma_start3A_295 : memref<80xi32, #tpu.memory_space<vmem>>) target_semaphore(%dma_start3A_292 : memref<!tpu.dma_semaphore, #tpu.memory_space<semaphore_mem>>)
        %dma_start3A_297 = arith.constant 0 : i32
        %dma_start3A_298 = tpu.memref_slice %arg8[%rem3A_283, %dma_start3A_297] : memref<5x80xi32, #tpu.memory_space<vmem>> -> memref<1x80xi32, #tpu.memory_space<vmem>>
        %dma_start3A_299 = tpu.memref_squeeze %dma_start3A_298 : memref<1x80xi32, #tpu.memory_space<vmem>> -> memref<80xi32, #tpu.memory_space<vmem>>
        %dma_start3A_300 = tpu.memref_slice %arg3[%add3A_286] : memref<320000xi32, #tpu.memory_space<hbm>> -> memref<80xi32, #tpu.memory_space<hbm>>
        %dma_start3A_301 = tpu.memref_slice %arg12[%rem3A_283] : memref<5x!tpu.dma_semaphore, #tpu.memory_space<semaphore_mem>> -> memref<1x!tpu.dma_semaphore, #tpu.memory_space<semaphore_mem>>
        %dma_start3A_302 = tpu.memref_squeeze %dma_start3A_301 : memref<1x!tpu.dma_semaphore, #tpu.memory_space<semaphore_mem>> -> memref<!tpu.dma_semaphore, #tpu.memory_space<semaphore_mem>>
        %dma_start3A_303 = arith.constant 0 : i32
        %dma_start3A_304 = tpu.memref_slice %arg8[%rem3A_283, %dma_start3A_303] : memref<5x80xi32, #tpu.memory_space<vmem>> -> memref<1x80xi32, #tpu.memory_space<vmem>>
        %dma_start3A_305 = tpu.memref_squeeze %dma_start3A_304 : memref<1x80xi32, #tpu.memory_space<vmem>> -> memref<80xi32, #tpu.memory_space<vmem>>
        %dma_start3A_306 = tpu.memref_slice %arg3[%add3A_286] : memref<320000xi32, #tpu.memory_space<hbm>> -> memref<80xi32, #tpu.memory_space<hbm>>
        tpu.enqueue_dma source(%dma_start3A_306 : memref<80xi32, #tpu.memory_space<hbm>>) target(%dma_start3A_305 : memref<80xi32, #tpu.memory_space<vmem>>) target_semaphore(%dma_start3A_302 : memref<!tpu.dma_semaphore, #tpu.memory_space<semaphore_mem>>)
        %dma_start3A_307 = arith.constant 0 : i32
        %dma_start3A_308 = tpu.memref_slice %arg9[%rem3A_283, %dma_start3A_307] : memref<5x80xf32, #tpu.memory_space<vmem>> -> memref<1x80xf32, #tpu.memory_space<vmem>>
        %dma_start3A_309 = tpu.memref_squeeze %dma_start3A_308 : memref<1x80xf32, #tpu.memory_space<vmem>> -> memref<80xf32, #tpu.memory_space<vmem>>
        %dma_start3A_310 = tpu.memref_slice %arg4[%add3A_286] : memref<320000xf32, #tpu.memory_space<hbm>> -> memref<80xf32, #tpu.memory_space<hbm>>
        %dma_start3A_311 = tpu.memref_slice %arg12[%rem3A_283] : memref<5x!tpu.dma_semaphore, #tpu.memory_space<semaphore_mem>> -> memref<1x!tpu.dma_semaphore, #tpu.memory_space<semaphore_mem>>
        %dma_start3A_312 = tpu.memref_squeeze %dma_start3A_311 : memref<1x!tpu.dma_semaphore, #tpu.memory_space<semaphore_mem>> -> memref<!tpu.dma_semaphore, #tpu.memory_space<semaphore_mem>>
        %dma_start3A_313 = arith.constant 0 : i32
        %dma_start3A_314 = tpu.memref_slice %arg9[%rem3A_283, %dma_start3A_313] : memref<5x80xf32, #tpu.memory_space<vmem>> -> memref<1x80xf32, #tpu.memory_space<vmem>>
        %dma_start3A_315 = tpu.memref_squeeze %dma_start3A_314 : memref<1x80xf32, #tpu.memory_space<vmem>> -> memref<80xf32, #tpu.memory_space<vmem>>
        %dma_start3A_316 = tpu.memref_slice %arg4[%add3A_286] : memref<320000xf32, #tpu.memory_space<hbm>> -> memref<80xf32, #tpu.memory_space<hbm>>
        tpu.enqueue_dma source(%dma_start3A_316 : memref<80xf32, #tpu.memory_space<hbm>>) target(%dma_start3A_315 : memref<80xf32, #tpu.memory_space<vmem>>) target_semaphore(%dma_start3A_312 : memref<!tpu.dma_semaphore, #tpu.memory_space<semaphore_mem>>)
      } else {
      }
      %dma_wait3A_247 = arith.constant 0 : i32
      %dma_wait3A_248 = arith.constant 0 : i32
      %dma_wait3A_249 = tpu.memref_slice %arg10[%rem3A_228, %dma_wait3A_247, %dma_wait3A_248] : memref<3x80x128xf32, #tpu.memory_space<vmem>> -> memref<1x80x128xf32, #tpu.memory_space<vmem>>
      %dma_wait3A_250 = tpu.memref_squeeze %dma_wait3A_249 : memref<1x80x128xf32, #tpu.memory_space<vmem>> -> memref<80x128xf32, #tpu.memory_space<vmem>>
      %dma_wait3A_251 = arith.constant 0 : i32
      %dma_wait3A_252 = tpu.memref_slice %arg7[%rem3A_230, %dma_wait3A_251] : memref<5x80xi32, #tpu.memory_space<vmem>> -> memref<1x80xi32, #tpu.memory_space<vmem>>
      %dma_wait3A_253 = tpu.memref_squeeze %dma_wait3A_252 : memref<1x80xi32, #tpu.memory_space<vmem>> -> memref<80xi32, #tpu.memory_space<vmem>>
      %dma_wait3A_254 = arith.constant 0 : i32
      %dma_wait3A_255 = arith.constant 0 : i32
      %dma_wait3A_256 = tpu.memref_slice %arg5[%dma_wait3A_254, %dma_wait3A_255] : memref<10000x128xf32, #tpu.memory_space<hbm>> -> memref<10000x128xf32, #tpu.memory_space<hbm>>
      %dma_wait3A_257 = tpu.memref_slice %arg13[%rem3A_228] : memref<3x!tpu.dma_semaphore, #tpu.memory_space<semaphore_mem>> -> memref<1x!tpu.dma_semaphore, #tpu.memory_space<semaphore_mem>>
      %dma_wait3A_258 = tpu.memref_squeeze %dma_wait3A_257 : memref<1x!tpu.dma_semaphore, #tpu.memory_space<semaphore_mem>> -> memref<!tpu.dma_semaphore, #tpu.memory_space<semaphore_mem>>
      tpu.wait_indirect_dma semaphore(%dma_wait3A_258 : memref<!tpu.dma_semaphore, #tpu.memory_space<semaphore_mem>>) src(%dma_wait3A_256 : memref<10000x128xf32, #tpu.memory_space<hbm>>) dst(%dma_wait3A_250 : memref<80x128xf32, #tpu.memory_space<vmem>>)
      %broadcast_in_dim3A_259 = vector.broadcast %rem3A_230 : i32 to vector<16xi32>
      %parallel_loop3A = arith.constant 0 : i32
      %parallel_loop3A_260 = arith.constant 80 : i32
      %parallel_loop3A_261 = arith.constant 1 : i32
      scf.for %parallel_loop3A_274 = %parallel_loop3A to %parallel_loop3A_260 step %parallel_loop3A_261  : i32 {
        %parallel_loop3A_275 = vector.broadcast %parallel_loop3A_274 : i32 to vector<16xi32>
        %parallel_loop3A_276 = tpu.vector_load_idx %arg9[%broadcast_in_dim3A_259, %parallel_loop3A_275] : memref<5x80xf32, #tpu.memory_space<vmem>>[vector<16xi32>, vector<16xi32>], vector<16xf32>,
        %parallel_loop3A_277 = arith.index_cast %rem3A_228 : i32 to index
        %parallel_loop3A_278 = arith.index_cast %parallel_loop3A_274 : i32 to index
        %parallel_loop3A_279 = arith.constant 0 : index
        %parallel_loop3A_280 = tpu.vector_load %arg10[%parallel_loop3A_277, %parallel_loop3A_278, %parallel_loop3A_279] {strides = array<i32>} : memref<3x80x128xf32, #tpu.memory_space<vmem>>, vector<16xf32>,
        %parallel_loop3A_281 = arith.mulf %parallel_loop3A_280, %parallel_loop3A_276 : vector<16xf32>
        %parallel_loop3A_282 = arith.index_cast %rem3A_228 : i32 to index
        %parallel_loop3A_283 = arith.index_cast %parallel_loop3A_274 : i32 to index
        %parallel_loop3A_284 = arith.constant 0 : index
        %parallel_loop3A_285 = tpu.vector_load %arg10[%parallel_loop3A_282, %parallel_loop3A_283, %parallel_loop3A_284] {strides = array<i32>} : memref<3x80x128xf32, #tpu.memory_space<vmem>>, vector<16xf32>,
        tpu.vector_store %arg10[%parallel_loop3A_282, %parallel_loop3A_283, %parallel_loop3A_284], %parallel_loop3A_281 {strides = array<i32>} : memref<3x80x128xf32, #tpu.memory_space<vmem>>, vector<16xf32>,
        %parallel_loop3A_286 = arith.index_cast %rem3A_228 : i32 to index
        %parallel_loop3A_287 = arith.index_cast %parallel_loop3A_274 : i32 to index
        %parallel_loop3A_288 = arith.constant 16 : index
        %parallel_loop3A_289 = tpu.vector_load %arg10[%parallel_loop3A_286, %parallel_loop3A_287, %parallel_loop3A_288] {strides = array<i32>} : memref<3x80x128xf32, #tpu.memory_space<vmem>>, vector<16xf32>,
        %parallel_loop3A_290 = arith.mulf %parallel_loop3A_289, %parallel_loop3A_276 : vector<16xf32>
        %parallel_loop3A_291 = arith.index_cast %rem3A_228 : i32 to index
        %parallel_loop3A_292 = arith.index_cast %parallel_loop3A_274 : i32 to index
        %parallel_loop3A_293 = arith.constant 16 : index
        %parallel_loop3A_294 = tpu.vector_load %arg10[%parallel_loop3A_291, %parallel_loop3A_292, %parallel_loop3A_293] {strides = array<i32>} : memref<3x80x128xf32, #tpu.memory_space<vmem>>, vector<16xf32>,
        tpu.vector_store %arg10[%parallel_loop3A_291, %parallel_loop3A_292, %parallel_loop3A_293], %parallel_loop3A_290 {strides = array<i32>} : memref<3x80x128xf32, #tpu.memory_space<vmem>>, vector<16xf32>,
        %parallel_loop3A_295 = arith.index_cast %rem3A_228 : i32 to index
        %parallel_loop3A_296 = arith.index_cast %parallel_loop3A_274 : i32 to index
        %parallel_loop3A_297 = arith.constant 32 : index
        %parallel_loop3A_298 = tpu.vector_load %arg10[%parallel_loop3A_295, %parallel_loop3A_296, %parallel_loop3A_297] {strides = array<i32>} : memref<3x80x128xf32, #tpu.memory_space<vmem>>, vector<16xf32>,
        %parallel_loop3A_299 = arith.mulf %parallel_loop3A_298, %parallel_loop3A_276 : vector<16xf32>
        %parallel_loop3A_300 = arith.index_cast %rem3A_228 : i32 to index
        %parallel_loop3A_301 = arith.index_cast %parallel_loop3A_274 : i32 to index
        %parallel_loop3A_302 = arith.constant 32 : index
        %parallel_loop3A_303 = tpu.vector_load %arg10[%parallel_loop3A_300, %parallel_loop3A_301, %parallel_loop3A_302] {strides = array<i32>} : memref<3x80x128xf32, #tpu.memory_space<vmem>>, vector<16xf32>,
        tpu.vector_store %arg10[%parallel_loop3A_300, %parallel_loop3A_301, %parallel_loop3A_302], %parallel_loop3A_299 {strides = array<i32>} : memref<3x80x128xf32, #tpu.memory_space<vmem>>, vector<16xf32>,
        %parallel_loop3A_304 = arith.index_cast %rem3A_228 : i32 to index
        %parallel_loop3A_305 = arith.index_cast %parallel_loop3A_274 : i32 to index
        %parallel_loop3A_306 = arith.constant 48 : index
        %parallel_loop3A_307 = tpu.vector_load %arg10[%parallel_loop3A_304, %parallel_loop3A_305, %parallel_loop3A_306] {strides = array<i32>} : memref<3x80x128xf32, #tpu.memory_space<vmem>>, vector<16xf32>,
        %parallel_loop3A_308 = arith.mulf %parallel_loop3A_307, %parallel_loop3A_276 : vector<16xf32>
        %parallel_loop3A_309 = arith.index_cast %rem3A_228 : i32 to index
        %parallel_loop3A_310 = arith.index_cast %parallel_loop3A_274 : i32 to index
        %parallel_loop3A_311 = arith.constant 48 : index
        %parallel_loop3A_312 = tpu.vector_load %arg10[%parallel_loop3A_309, %parallel_loop3A_310, %parallel_loop3A_311] {strides = array<i32>} : memref<3x80x128xf32, #tpu.memory_space<vmem>>, vector<16xf32>,
        tpu.vector_store %arg10[%parallel_loop3A_309, %parallel_loop3A_310, %parallel_loop3A_311], %parallel_loop3A_308 {strides = array<i32>} : memref<3x80x128xf32, #tpu.memory_space<vmem>>, vector<16xf32>,
        %parallel_loop3A_313 = arith.index_cast %rem3A_228 : i32 to index
        %parallel_loop3A_314 = arith.index_cast %parallel_loop3A_274 : i32 to index
        %parallel_loop3A_315 = arith.constant 64 : index
        %parallel_loop3A_316 = tpu.vector_load %arg10[%parallel_loop3A_313, %parallel_loop3A_314, %parallel_loop3A_315] {strides = array<i32>} : memref<3x80x128xf32, #tpu.memory_space<vmem>>, vector<16xf32>,
        %parallel_loop3A_317 = arith.mulf %parallel_loop3A_316, %parallel_loop3A_276 : vector<16xf32>
        %parallel_loop3A_318 = arith.index_cast %rem3A_228 : i32 to index
        %parallel_loop3A_319 = arith.index_cast %parallel_loop3A_274 : i32 to index
        %parallel_loop3A_320 = arith.constant 64 : index
        %parallel_loop3A_321 = tpu.vector_load %arg10[%parallel_loop3A_318, %parallel_loop3A_319, %parallel_loop3A_320] {strides = array<i32>} : memref<3x80x128xf32, #tpu.memory_space<vmem>>, vector<16xf32>,
        tpu.vector_store %arg10[%parallel_loop3A_318, %parallel_loop3A_319, %parallel_loop3A_320], %parallel_loop3A_317 {strides = array<i32>} : memref<3x80x128xf32, #tpu.memory_space<vmem>>, vector<16xf32>,
        %parallel_loop3A_322 = arith.index_cast %rem3A_228 : i32 to index
        %parallel_loop3A_323 = arith.index_cast %parallel_loop3A_274 : i32 to index
        %parallel_loop3A_324 = arith.constant 80 : index
        %parallel_loop3A_325 = tpu.vector_load %arg10[%parallel_loop3A_322, %parallel_loop3A_323, %parallel_loop3A_324] {strides = array<i32>} : memref<3x80x128xf32, #tpu.memory_space<vmem>>, vector<16xf32>,
        %parallel_loop3A_326 = arith.mulf %parallel_loop3A_325, %parallel_loop3A_276 : vector<16xf32>
        %parallel_loop3A_327 = arith.index_cast %rem3A_228 : i32 to index
        %parallel_loop3A_328 = arith.index_cast %parallel_loop3A_274 : i32 to index
        %parallel_loop3A_329 = arith.constant 80 : index
        %parallel_loop3A_330 = tpu.vector_load %arg10[%parallel_loop3A_327, %parallel_loop3A_328, %parallel_loop3A_329] {strides = array<i32>} : memref<3x80x128xf32, #tpu.memory_space<vmem>>, vector<16xf32>,
        tpu.vector_store %arg10[%parallel_loop3A_327, %parallel_loop3A_328, %parallel_loop3A_329], %parallel_loop3A_326 {strides = array<i32>} : memref<3x80x128xf32, #tpu.memory_space<vmem>>, vector<16xf32>,
        %parallel_loop3A_331 = arith.index_cast %rem3A_228 : i32 to index
        %parallel_loop3A_332 = arith.index_cast %parallel_loop3A_274 : i32 to index
        %parallel_loop3A_333 = arith.constant 96 : index
        %parallel_loop3A_334 = tpu.vector_load %arg10[%parallel_loop3A_331, %parallel_loop3A_332, %parallel_loop3A_333] {strides = array<i32>} : memref<3x80x128xf32, #tpu.memory_space<vmem>>, vector<16xf32>,
        %parallel_loop3A_335 = arith.mulf %parallel_loop3A_334, %parallel_loop3A_276 : vector<16xf32>
        %parallel_loop3A_336 = arith.index_cast %rem3A_228 : i32 to index
        %parallel_loop3A_337 = arith.index_cast %parallel_loop3A_274 : i32 to index
        %parallel_loop3A_338 = arith.constant 96 : index
        %parallel_loop3A_339 = tpu.vector_load %arg10[%parallel_loop3A_336, %parallel_loop3A_337, %parallel_loop3A_338] {strides = array<i32>} : memref<3x80x128xf32, #tpu.memory_space<vmem>>, vector<16xf32>,
        tpu.vector_store %arg10[%parallel_loop3A_336, %parallel_loop3A_337, %parallel_loop3A_338], %parallel_loop3A_335 {strides = array<i32>} : memref<3x80x128xf32, #tpu.memory_space<vmem>>, vector<16xf32>,
        %parallel_loop3A_340 = arith.index_cast %rem3A_228 : i32 to index
        %parallel_loop3A_341 = arith.index_cast %parallel_loop3A_274 : i32 to index
        %parallel_loop3A_342 = arith.constant 112 : index
        %parallel_loop3A_343 = tpu.vector_load %arg10[%parallel_loop3A_340, %parallel_loop3A_341, %parallel_loop3A_342] {strides = array<i32>} : memref<3x80x128xf32, #tpu.memory_space<vmem>>, vector<16xf32>,
        %parallel_loop3A_344 = arith.mulf %parallel_loop3A_343, %parallel_loop3A_276 : vector<16xf32>
        %parallel_loop3A_345 = arith.index_cast %rem3A_228 : i32 to index
        %parallel_loop3A_346 = arith.index_cast %parallel_loop3A_274 : i32 to index
        %parallel_loop3A_347 = arith.constant 112 : index
        %parallel_loop3A_348 = tpu.vector_load %arg10[%parallel_loop3A_345, %parallel_loop3A_346, %parallel_loop3A_347] {strides = array<i32>} : memref<3x80x128xf32, #tpu.memory_space<vmem>>, vector<16xf32>,
        tpu.vector_store %arg10[%parallel_loop3A_345, %parallel_loop3A_346, %parallel_loop3A_347], %parallel_loop3A_344 {strides = array<i32>} : memref<3x80x128xf32, #tpu.memory_space<vmem>>, vector<16xf32>,
      } {sc.loop_unroll_factor = 4 : i64, sc.parallel_access}
      %dma_start3A_262 = arith.constant 0 : i32
      %dma_start3A_263 = arith.constant 0 : i32
      %dma_start3A_264 = tpu.memref_slice %arg10[%rem3A_228, %dma_start3A_262, %dma_start3A_263] : memref<3x80x128xf32, #tpu.memory_space<vmem>> -> memref<1x80x128xf32, #tpu.memory_space<vmem>>
      %dma_start3A_265 = tpu.memref_squeeze %dma_start3A_264 : memref<1x80x128xf32, #tpu.memory_space<vmem>> -> memref<80x128xf32, #tpu.memory_space<vmem>>
      %dma_start3A_266 = arith.constant 0 : i32
      %dma_start3A_267 = tpu.memref_slice %arg8[%rem3A_230, %dma_start3A_266] : memref<5x80xi32, #tpu.memory_space<vmem>> -> memref<1x80xi32, #tpu.memory_space<vmem>>
      %dma_start3A_268 = tpu.memref_squeeze %dma_start3A_267 : memref<1x80xi32, #tpu.memory_space<vmem>> -> memref<80xi32, #tpu.memory_space<vmem>>
      %dma_start3A_269 = arith.constant 0 : i32
      %dma_start3A_270 = arith.constant 0 : i32
      %dma_start3A_271 = tpu.memref_slice %arg11[%dma_start3A_269, %dma_start3A_270] : memref<10000x128xf32, #tpu.memory_space<vmem_shared>> -> memref<10000x128xf32, #tpu.memory_space<vmem_shared>>
      %dma_start3A_272 = tpu.memref_slice %arg14[%rem3A_228] : memref<3x!tpu.dma_semaphore, #tpu.memory_space<semaphore_mem>> -> memref<1x!tpu.dma_semaphore, #tpu.memory_space<semaphore_mem>>
      %dma_start3A_273 = tpu.memref_squeeze %dma_start3A_272 : memref<1x!tpu.dma_semaphore, #tpu.memory_space<semaphore_mem>> -> memref<!tpu.dma_semaphore, #tpu.memory_space<semaphore_mem>>
      tpu.enqueue_indirect_dma source(%dma_start3A_265 : memref<80x128xf32, #tpu.memory_space<vmem>>) target(%dma_start3A_271 : memref<10000x128xf32, #tpu.memory_space<vmem_shared>>) offsets(%dma_start3A_268 : memref<80xi32, #tpu.memory_space<vmem>>) semaphore(%dma_start3A_273 : memref<!tpu.dma_semaphore, #tpu.memory_space<semaphore_mem>>) {add = true}
    }
    %scan3A_189 = arith.constant 125 : i32
    %dma_wait3A_190 = arith.constant 0 : i32
    %dma_wait3A_191 = arith.constant 0 : i32
    %dma_wait3A_192 = arith.constant 0 : i32
    %dma_wait3A_193 = arith.constant 0 : i32
    %dma_wait3A_194 = arith.constant 0 : i32
    %dma_wait3A_195 = tpu.memref_slice %arg10[%dma_wait3A_190, %dma_wait3A_193, %dma_wait3A_194] : memref<3x80x128xf32, #tpu.memory_space<vmem>> -> memref<1x80x128xf32, #tpu.memory_space<vmem>>
    %dma_wait3A_196 = tpu.memref_squeeze %dma_wait3A_195 : memref<1x80x128xf32, #tpu.memory_space<vmem>> -> memref<80x128xf32, #tpu.memory_space<vmem>>
    %dma_wait3A_197 = arith.constant 0 : i32
    %dma_wait3A_198 = tpu.memref_slice %arg8[%dma_wait3A_191, %dma_wait3A_197] : memref<5x80xi32, #tpu.memory_space<vmem>> -> memref<1x80xi32, #tpu.memory_space<vmem>>
    %dma_wait3A_199 = tpu.memref_squeeze %dma_wait3A_198 : memref<1x80xi32, #tpu.memory_space<vmem>> -> memref<80xi32, #tpu.memory_space<vmem>>
    %dma_wait3A_200 = arith.constant 0 : i32
    %dma_wait3A_201 = arith.constant 0 : i32
    %dma_wait3A_202 = tpu.memref_slice %arg11[%dma_wait3A_200, %dma_wait3A_201] : memref<10000x128xf32, #tpu.memory_space<vmem_shared>> -> memref<10000x128xf32, #tpu.memory_space<vmem_shared>>
    %dma_wait3A_203 = tpu.memref_slice %arg14[%dma_wait3A_192] : memref<3x!tpu.dma_semaphore, #tpu.memory_space<semaphore_mem>> -> memref<1x!tpu.dma_semaphore, #tpu.memory_space<semaphore_mem>>
    %dma_wait3A_204 = tpu.memref_squeeze %dma_wait3A_203 : memref<1x!tpu.dma_semaphore, #tpu.memory_space<semaphore_mem>> -> memref<!tpu.dma_semaphore, #tpu.memory_space<semaphore_mem>>
    tpu.wait_indirect_dma semaphore(%dma_wait3A_204 : memref<!tpu.dma_semaphore, #tpu.memory_space<semaphore_mem>>) src(%dma_wait3A_196 : memref<80x128xf32, #tpu.memory_space<vmem>>) dst(%dma_wait3A_202 : memref<10000x128xf32, #tpu.memory_space<vmem_shared>>)
    %dma_wait3A_205 = arith.constant 1 : i32
    %dma_wait3A_206 = arith.constant 0 : i32
    %dma_wait3A_207 = arith.constant 1 : i32
    %dma_wait3A_208 = arith.constant 0 : i32
    %dma_wait3A_209 = arith.constant 0 : i32
    %dma_wait3A_210 = tpu.memref_slice %arg10[%dma_wait3A_205, %dma_wait3A_208, %dma_wait3A_209] : memref<3x80x128xf32, #tpu.memory_space<vmem>> -> memref<1x80x128xf32, #tpu.memory_space<vmem>>
    %dma_wait3A_211 = tpu.memref_squeeze %dma_wait3A_210 : memref<1x80x128xf32, #tpu.memory_space<vmem>> -> memref<80x128xf32, #tpu.memory_space<vmem>>
    %dma_wait3A_212 = arith.constant 0 : i32
    %dma_wait3A_213 = tpu.memref_slice %arg8[%dma_wait3A_206, %dma_wait3A_212] : memref<5x80xi32, #tpu.memory_space<vmem>> -> memref<1x80xi32, #tpu.memory_space<vmem>>
    %dma_wait3A_214 = tpu.memref_squeeze %dma_wait3A_213 : memref<1x80xi32, #tpu.memory_space<vmem>> -> memref<80xi32, #tpu.memory_space<vmem>>
    %dma_wait3A_215 = arith.constant 0 : i32
    %dma_wait3A_216 = arith.constant 0 : i32
    %dma_wait3A_217 = tpu.memref_slice %arg11[%dma_wait3A_215, %dma_wait3A_216] : memref<10000x128xf32, #tpu.memory_space<vmem_shared>> -> memref<10000x128xf32, #tpu.memory_space<vmem_shared>>
    %dma_wait3A_218 = tpu.memref_slice %arg14[%dma_wait3A_207] : memref<3x!tpu.dma_semaphore, #tpu.memory_space<semaphore_mem>> -> memref<1x!tpu.dma_semaphore, #tpu.memory_space<semaphore_mem>>
    %dma_wait3A_219 = tpu.memref_squeeze %dma_wait3A_218 : memref<1x!tpu.dma_semaphore, #tpu.memory_space<semaphore_mem>> -> memref<!tpu.dma_semaphore, #tpu.memory_space<semaphore_mem>>
    tpu.wait_indirect_dma semaphore(%dma_wait3A_219 : memref<!tpu.dma_semaphore, #tpu.memory_space<semaphore_mem>>) src(%dma_wait3A_211 : memref<80x128xf32, #tpu.memory_space<vmem>>) dst(%dma_wait3A_217 : memref<10000x128xf32, #tpu.memory_space<vmem_shared>>)
    %barrier3A_220 = arith.constant 0 : index
    tpu.barrier barrier_id(%barrier3A_220)
    %scan3A_221 = arith.constant 0 : i32
    %scan3A_222 = arith.constant 0 : i32
    %scan3A_223 = arith.constant 8 : i32
    %scan3A_224 = arith.addi %scan3A_222, %scan3A_223 : i32
    %scan3A_225 = arith.constant 1 : i32
    scf.for %scan3A_227 = %scan3A_222 to %scan3A_224 step %scan3A_225  : i32 {
      %mul3A_228 = arith.constant 16 : i32
      %mul3A_229 = arith.muli %scan3A_227, %mul3A_228 : i32
      %add3A_230 = arith.addi %arg1, %mul3A_229 : i32
      %lt3A = arith.constant 125 : i32
      %lt3A_231 = arith.cmpi slt, %add3A_230, %lt3A : i32
      %convert_element_type3A = arith.extui %lt3A_231 : i1 to i32
      %cond3A = arith.constant 0 : i32
      %cond3A_232 = arith.cmpi ne, %convert_element_type3A, %cond3A : i32
      scf.if %cond3A_232 {
        %mul3A_233 = arith.constant 80 : i32
        %mul3A_234 = arith.muli %add3A_230, %mul3A_233 : i32
        %run_scoped3A = arith.constant 0 : i32
        "tpu.region"() ({
          %run_scoped3A_236 = tpu.sem_alloc : memref<!tpu.dma_semaphore, #tpu.memory_space<semaphore_mem>>
          %dma_start3A_237 = arith.constant 0 : i32
          %dma_start3A_238 = arith.constant 0 : i32
          %dma_start3A_239 = tpu.memref_slice %arg10[%run_scoped3A, %dma_start3A_237, %dma_start3A_238] : memref<3x80x128xf32, #tpu.memory_space<vmem>> -> memref<1x80x128xf32, #tpu.memory_space<vmem>>
          %dma_start3A_240 = tpu.memref_squeeze %dma_start3A_239 : memref<1x80x128xf32, #tpu.memory_space<vmem>> -> memref<80x128xf32, #tpu.memory_space<vmem>>
          %dma_start3A_241 = arith.constant 0 : i32
          %dma_start3A_242 = tpu.memref_slice %arg11[%mul3A_234, %dma_start3A_241] : memref<10000x128xf32, #tpu.memory_space<vmem_shared>> -> memref<80x128xf32, #tpu.memory_space<vmem_shared>>
          %dma_start3A_243 = arith.constant 0 : i32
          %dma_start3A_244 = arith.constant 0 : i32
          %dma_start3A_245 = tpu.memref_slice %arg10[%run_scoped3A, %dma_start3A_243, %dma_start3A_244] : memref<3x80x128xf32, #tpu.memory_space<vmem>> -> memref<1x80x128xf32, #tpu.memory_space<vmem>>
          %dma_start3A_246 = tpu.memref_squeeze %dma_start3A_245 : memref<1x80x128xf32, #tpu.memory_space<vmem>> -> memref<80x128xf32, #tpu.memory_space<vmem>>
          %dma_start3A_247 = arith.constant 0 : i32
          %dma_start3A_248 = tpu.memref_slice %arg11[%mul3A_234, %dma_start3A_247] : memref<10000x128xf32, #tpu.memory_space<vmem_shared>> -> memref<80x128xf32, #tpu.memory_space<vmem_shared>>
          tpu.enqueue_dma source(%dma_start3A_248 : memref<80x128xf32, #tpu.memory_space<vmem_shared>>) target(%dma_start3A_246 : memref<80x128xf32, #tpu.memory_space<vmem>>) target_semaphore(%run_scoped3A_236 : memref<!tpu.dma_semaphore, #tpu.memory_space<semaphore_mem>>)
          %dma_wait3A_249 = arith.constant 0 : i32
          %dma_wait3A_250 = arith.constant 0 : i32
          %dma_wait3A_251 = tpu.memref_slice %arg10[%run_scoped3A, %dma_wait3A_249, %dma_wait3A_250] : memref<3x80x128xf32, #tpu.memory_space<vmem>> -> memref<1x80x128xf32, #tpu.memory_space<vmem>>
          %dma_wait3A_252 = tpu.memref_squeeze %dma_wait3A_251 : memref<1x80x128xf32, #tpu.memory_space<vmem>> -> memref<80x128xf32, #tpu.memory_space<vmem>>
          %dma_wait3A_253 = arith.constant 0 : i32
          %dma_wait3A_254 = tpu.memref_slice %arg11[%mul3A_234, %dma_wait3A_253] : memref<10000x128xf32, #tpu.memory_space<vmem_shared>> -> memref<80x128xf32, #tpu.memory_space<vmem_shared>>
          %dma_wait3A_255 = arith.constant 0 : i32
          %dma_wait3A_256 = arith.constant 0 : i32
          %dma_wait3A_257 = tpu.memref_slice %arg10[%run_scoped3A, %dma_wait3A_255, %dma_wait3A_256] : memref<3x80x128xf32, #tpu.memory_space<vmem>> -> memref<1x80x128xf32, #tpu.memory_space<vmem>>
          %dma_wait3A_258 = tpu.memref_squeeze %dma_wait3A_257 : memref<1x80x128xf32, #tpu.memory_space<vmem>> -> memref<80x128xf32, #tpu.memory_space<vmem>>
          %dma_wait3A_259 = arith.constant 0 : i32
          %dma_wait3A_260 = tpu.memref_slice %arg11[%mul3A_234, %dma_wait3A_259] : memref<10000x128xf32, #tpu.memory_space<vmem_shared>> -> memref<80x128xf32, #tpu.memory_space<vmem_shared>>
          tpu.wait_dma2 semaphore(%run_scoped3A_236 : memref<!tpu.dma_semaphore, #tpu.memory_space<semaphore_mem>>) src(%dma_wait3A_260 : memref<80x128xf32, #tpu.memory_space<vmem_shared>>) dst(%dma_wait3A_258 : memref<80x128xf32, #tpu.memory_space<vmem>>)
          tpu.yield
        }) : () -> ()
        %run_scoped3A_235 = arith.constant 0 : i32
        "tpu.region"() ({
          %run_scoped3A_236 = tpu.sem_alloc : memref<!tpu.dma_semaphore, #tpu.memory_space<semaphore_mem>>
          %dma_start3A_237 = arith.constant 0 : i32
          %dma_start3A_238 = arith.constant 0 : i32
          %dma_start3A_239 = tpu.memref_slice %arg10[%run_scoped3A_235, %dma_start3A_237, %dma_start3A_238] : memref<3x80x128xf32, #tpu.memory_space<vmem>> -> memref<1x80x128xf32, #tpu.memory_space<vmem>>
          %dma_start3A_240 = tpu.memref_squeeze %dma_start3A_239 : memref<1x80x128xf32, #tpu.memory_space<vmem>> -> memref<80x128xf32, #tpu.memory_space<vmem>>
          %dma_start3A_241 = arith.constant 0 : i32
          %dma_start3A_242 = tpu.memref_slice %arg6[%arg0, %mul3A_234, %dma_start3A_241] : memref<2x10000x128xf32, #tpu.memory_space<hbm>> -> memref<1x80x128xf32, #tpu.memory_space<hbm>>
          %dma_start3A_243 = tpu.memref_squeeze %dma_start3A_242 : memref<1x80x128xf32, #tpu.memory_space<hbm>> -> memref<80x128xf32, #tpu.memory_space<hbm>>
          %dma_start3A_244 = arith.constant 0 : i32
          %dma_start3A_245 = tpu.memref_slice %arg6[%arg0, %mul3A_234, %dma_start3A_244] : memref<2x10000x128xf32, #tpu.memory_space<hbm>> -> memref<1x80x128xf32, #tpu.memory_space<hbm>>
          %dma_start3A_246 = tpu.memref_squeeze %dma_start3A_245 : memref<1x80x128xf32, #tpu.memory_space<hbm>> -> memref<80x128xf32, #tpu.memory_space<hbm>>
          %dma_start3A_247 = arith.constant 0 : i32
          %dma_start3A_248 = arith.constant 0 : i32
          %dma_start3A_249 = tpu.memref_slice %arg10[%run_scoped3A_235, %dma_start3A_247, %dma_start3A_248] : memref<3x80x128xf32, #tpu.memory_space<vmem>> -> memref<1x80x128xf32, #tpu.memory_space<vmem>>
          %dma_start3A_250 = tpu.memref_squeeze %dma_start3A_249 : memref<1x80x128xf32, #tpu.memory_space<vmem>> -> memref<80x128xf32, #tpu.memory_space<vmem>>
          tpu.enqueue_dma source(%dma_start3A_250 : memref<80x128xf32, #tpu.memory_space<vmem>>) target(%dma_start3A_246 : memref<80x128xf32, #tpu.memory_space<hbm>>) target_semaphore(%run_scoped3A_236 : memref<!tpu.dma_semaphore, #tpu.memory_space<semaphore_mem>>)
          %dma_wait3A_251 = arith.constant 0 : i32
          %dma_wait3A_252 = arith.constant 0 : i32
          %dma_wait3A_253 = tpu.memref_slice %arg10[%run_scoped3A_235, %dma_wait3A_251, %dma_wait3A_252] : memref<3x80x128xf32, #tpu.memory_space<vmem>> -> memref<1x80x128xf32, #tpu.memory_space<vmem>>
          %dma_wait3A_254 = tpu.memref_squeeze %dma_wait3A_253 : memref<1x80x128xf32, #tpu.memory_space<vmem>> -> memref<80x128xf32, #tpu.memory_space<vmem>>
          %dma_wait3A_255 = arith.constant 0 : i32
          %dma_wait3A_256 = tpu.memref_slice %arg6[%arg0, %mul3A_234, %dma_wait3A_255] : memref<2x10000x128xf32, #tpu.memory_space<hbm>> -> memref<1x80x128xf32, #tpu.memory_space<hbm>>
          %dma_wait3A_257 = tpu.memref_squeeze %dma_wait3A_256 : memref<1x80x128xf32, #tpu.memory_space<hbm>> -> memref<80x128xf32, #tpu.memory_space<hbm>>
          %dma_wait3A_258 = arith.constant 0 : i32
          %dma_wait3A_259 = tpu.memref_slice %arg6[%arg0, %mul3A_234, %dma_wait3A_258] : memref<2x10000x128xf32, #tpu.memory_space<hbm>> -> memref<1x80x128xf32, #tpu.memory_space<hbm>>
          %dma_wait3A_260 = tpu.memref_squeeze %dma_wait3A_259 : memref<1x80x128xf32, #tpu.memory_space<hbm>> -> memref<80x128xf32, #tpu.memory_space<hbm>>
          %dma_wait3A_261 = arith.constant 0 : i32
          %dma_wait3A_262 = arith.constant 0 : i32
          %dma_wait3A_263 = tpu.memref_slice %arg10[%run_scoped3A_235, %dma_wait3A_261, %dma_wait3A_262] : memref<3x80x128xf32, #tpu.memory_space<vmem>> -> memref<1x80x128xf32, #tpu.memory_space<vmem>>
          %dma_wait3A_264 = tpu.memref_squeeze %dma_wait3A_263 : memref<1x80x128xf32, #tpu.memory_space<vmem>> -> memref<80x128xf32, #tpu.memory_space<vmem>>
          tpu.wait_dma2 semaphore(%run_scoped3A_236 : memref<!tpu.dma_semaphore, #tpu.memory_space<semaphore_mem>>) src(%dma_wait3A_264 : memref<80x128xf32, #tpu.memory_space<vmem>>) dst(%dma_wait3A_260 : memref<80x128xf32, #tpu.memory_space<hbm>>)
          tpu.yield
        }) : () -> ()
      } else {
      }
    }
    %scan3A_226 = arith.constant 8 : i32
    return
  }
}

module attributes {stable_mosaic.version = 14 : i64} {
  func.func @_add_body(%arg0: i32, %arg1: memref<1000x128xf32, #tpu.memory_space<vmem>>, %arg2: memref<1000x128xf32, #tpu.memory_space<vmem>>, %arg3: memref<1000x128xf32, #tpu.memory_space<vmem>>) attributes {dimension_semantics = [#tpu.dimension_semantics<arbitrary>], iteration_bounds = array<i64: 10>, scalar_prefetch = 0 : i64, scratch_operands = 0 : i64, tpu.core_type = #tpu.core_type<tc>, window_params = [{transform_indices = @transform_0, window_bounds = array<i64: 1000, 128>}, {transform_indices = @transform_1, window_bounds = array<i64: 1000, 128>}, {transform_indices = @transform_2, window_bounds = array<i64: 1000, 128>}]} {
    %get3A = arith.constant 0 : index
    %get3A_0 = arith.constant 0 : index
    %get3A_1 = vector.load %arg1[%get3A, %get3A_0] : memref<1000x128xf32, #tpu.memory_space<vmem>>, vector<1000x128xf32>
    %get3A_2 = arith.constant 0 : index
    %get3A_3 = arith.constant 0 : index
    %get3A_4 = vector.load %arg2[%get3A_2, %get3A_3] : memref<1000x128xf32, #tpu.memory_space<vmem>>, vector<1000x128xf32>
    %add3A = arith.addf %get3A_1, %get3A_4 : vector<1000x128xf32>
    %swap3A = arith.constant 0 : index
    %swap3A_5 = arith.constant 0 : index
    %swap3A_6 = vector.load %arg3[%swap3A, %swap3A_5] : memref<1000x128xf32, #tpu.memory_space<vmem>>, vector<1000x128xf32>
    tpu.vector_store %arg3[%swap3A, %swap3A_5], %add3A {strides = array<i32>} : memref<1000x128xf32, #tpu.memory_space<vmem>>, vector<1000x128xf32>,
    return
  }
  func.func @transform_0(%arg0: i32) -> (i32, i32) {
    %c0_i32 = arith.constant 0 : i32
    %c0_i32_0 = arith.constant 0 : i32
    return %arg0, %c0_i32 : i32, i32
  }
  func.func @transform_1(%arg0: i32) -> (i32, i32) {
    %c0_i32 = arith.constant 0 : i32
    %c0_i32_0 = arith.constant 0 : i32
    return %arg0, %c0_i32 : i32, i32
  }
  func.func @transform_2(%arg0: i32) -> (i32, i32) {
    %c0_i32 = arith.constant 0 : i32
    %c0_i32_0 = arith.constant 0 : i32
    return %arg0, %c0_i32 : i32, i32
  }
}

</mosaic_0001>

<sc_bundles>
// kernel: kernel.4.cloned.1.call-start
scs
__scs_entry_jumppad:
0x0: {  	(pc) =	sbr.rel $0x88, $3  }
0x1: {  	(tag) =	ssettag $0x0;
	lr =	simm.s32 $0x1  }
0x2: {  	[smem:$0x3F9E] =	sst lr;
	_ =	strace $0xD0000000  }
0x3: {  	_ = 	snop  }
0x4: {  	_ = 	snop  }
0x5: {  	_ = 	snop  }
0x6: {  	_ = 	snop  }
0x7: {  	_ = 	snop  }
__scs_overlays_trampoline_lowered:
0x8: {  	[smem:$0x3FAD] =	sst s0  }
0x9: {  	[smem:$0x3FAE] =	sst s1  }
0xa: {  	[smem:$0x3FAF] =	sst s2  }
0xb: {  	[smem:$0x3FB0] =	sst s3  }
0xc: {  	[smem:$0x3FB1] =	sst s4  }
0xd: {  	[smem:$0x3FB2] =	sst s5  }
0xe: {  	[smem:$0x3FB3] =	sst s6  }
0xf: {  	[smem:$0x3FB4] =	sst s7  }
0x10: {  	[smem:$0x3FB5] =	sst s8  }
0x11: {  	[smem:$0x3FB6] =	sst s9;
	s0 =	simm.s32 @!p0 $0x0  }
0x12: {  	s1 =	sld [smem:$0x3F9C];
	s0 =	simm.s32 @p0 $0x1  }
0x13: {  	[smem:$0x3FB7] =	sst s0;
	s0 =	simm.s32 @!p1 $0x0  }
0x14: {  	s2 =	sld [smem:$0x3F9B];
	s0 =	simm.s32 @p1 $0x1  }
0x15: {  	[smem:$0x3FB8] =	sst s0;
	s0 =	simm.s32 @!p2 $0x0  }
0x16: {  	s3 =	sld [smem:$0x3FDB];
	s0 =	simm.s32 @p2 $0x1  }
0x17: {  	s4 =	simm.s32 $0x1BF5;
	[smem:$0x3FBA] =	sst s0  }
0x18: {  	s0 =	sld [smem:$0x3F9D];
	_ =	swait.ge [sflag:s4], $0x0  }
0x19: {  	s7 =	sld [smem:$0x3F9E]  }
0x1a: {  	s8 =	sadd.s32 $0xFFFFE003, lr  }
0x1b: {  	s9 =	sadd.s32 $0xFFFFFEF7, lr;
	s5 =	simm.s32 $0xFFFFFFFF;
	p2 =	slt.u32 s8, $0xFFFFF086  }
0x1c: {  	p1 =	slt.u32 s9, $0xF7A;
	s5 =	simm.s32 @!p2 $0x0  }
0x1d: {  	s5 =	simm.s32 @p1 $0x1;
	p0 =	seq.s32 s7, s2  }
0x1e: {  	s7 =	smul.u32 @!p0 $0xF7A, s2;
	p2 =	seq.s32 @!p0 s5, $0x0  }
0x1f: {  	s9 =	smul.u32 $0xF7A, s1;
	s8 =	simm.s32 @!p0 $0x1BF5;
	p2 =	por !p2, p0  }
0x20: {  	[sflag:s8] =	ssyncset.s32 @!p0 $0xFFFFF086;
	s6 =	sadd.s32 @!p0 s3, s7;
	s7 =	simm.s32 @!p0 $0x108  }
0x21: {  	s3 =	sadd.s32 s3, s9;
	s6 =	sadd.s32 @!p0 $0x88, s6;
	s7 =	simm.s32 @p2 $0x1082  }
0x22: {  	[simem:s7], [sflag:s8] =	dma.local @!p0 [hbm:s6], $0xF7A  }
0x23: {  	s9 =	sor.u32 $0xD0000000, s2;
	s6 =	simm.s32 $0x108;
	_ =	swait.ge @!p0 [sflag:s8], $0x0  }
0x24: {  	s3 =	sadd.s32 $0x88, s3;
	s6 =	simm.s32 @!p1 $0x1082;
	[sflag:s4] =	ssyncset.s32 $0xFFFFF086  }
0x25: {  	[simem:s6], [sflag:s4] =	dma.local [hbm:s3], $0xF7A  }
0x26: {  	[smem:$0x3F9E] =	sst s1;
	(tag) =	ssettag s2;
	_ =	strace s9  }
0x27: {  	s1 =	sld [smem:$0x3FAE]  }
0x28: {  	s2 =	sld [smem:$0x3FAF]  }
0x29: {  	s4 =	sld [smem:$0x3FB1]  }
0x2a: {  	p0 =	seq.s32 s5, $0x0;
	s5 =	sld [smem:$0x3FB2]  }
0x2b: {  	s6 =	sld [smem:$0x3FB3]  }
0x2c: {  	s7 =	sld [smem:$0x3FB4]  }
0x2d: {  	s3 =	simm.s32 $0x108;
	s8 =	sld [smem:$0x3FB5]  }
0x2e: {  	s3 =	simm.s32 @!p0 $0x1082;
	s9 =	sld [smem:$0x3FB6]  }
0x2f: {  	lr =	sadd.s32 s0, s3;
	s0 =	sld [smem:$0x3FAD]  }
0x30: {  	s3 =	sld [smem:$0x3FB0]  }
0x31: {  	[smem:$0x3FB9] =	sst s10  }
0x32: {  	s10 =	sld [smem:$0x3FB7];
	_ =	sdelay $0x3  }
0x33: {  	p0 =	seq.s32 s10, $0x1;
	s10 =	sld [smem:$0x3FB9];
	_ =	sdelay $0x3  }
0x34: {  	[smem:$0x3FB9] =	sst s10  }
0x35: {  	s10 =	sld [smem:$0x3FB8];
	_ =	sdelay $0x3  }
0x36: {  	p1 =	seq.s32 s10, $0x1;
	s10 =	sld [smem:$0x3FB9];
	_ =	sdelay $0x3  }
0x37: {  	[smem:$0x3FB9] =	sst s10  }
0x38: {  	s10 =	sld [smem:$0x3FBA]  }
0x39: {  	_ = 	snop;
	(pc) =	sbr.ind lr, $3  }
0x3a: {  	_ = 	snop  }
0x3b: {  	_ = 	snop  }
0x3c: {  	p2 =	seq.s32 s10, $0x1;
	s10 =	sld [smem:$0x3FB9]  }
0x3d: {  	_ =	shalt  }
0x3e: {  	_ =	shalt  }
0x3f: {  	_ =	shalt  }
0x40: {  	_ =	shalt  }
0x41: {  	_ =	shalt  }
0x42: {  	_ =	shalt  }
0x43: {  	_ =	shalt  }
0x44: {  	_ =	shalt  }
0x45: {  	_ =	shalt  }
0x46: {  	_ =	shalt  }
0x47: {  	_ =	shalt  }
0x48: {  	_ =	shalt  }
0x49: {  	_ =	shalt  }
0x4a: {  	_ =	shalt  }
0x4b: {  	_ =	shalt  }
0x4c: {  	_ =	shalt  }
0x4d: {  	_ =	shalt  }
0x4e: {  	_ =	shalt  }
0x4f: {  	_ =	shalt  }
0x50: {  	_ =	shalt  }
0x51: {  	_ =	shalt  }
0x52: {  	_ =	shalt  }
0x53: {  	_ =	shalt  }
0x54: {  	_ =	shalt  }
0x55: {  	_ =	shalt  }
0x56: {  	_ =	shalt  }
0x57: {  	_ =	shalt  }
0x58: {  	_ =	shalt  }
0x59: {  	_ =	shalt  }
0x5a: {  	_ =	shalt  }
0x5b: {  	_ =	shalt  }
0x5c: {  	_ =	shalt  }
0x5d: {  	_ =	shalt  }
0x5e: {  	_ =	shalt  }
0x5f: {  	_ =	shalt  }
0x60: {  	_ =	shalt  }
0x61: {  	_ =	shalt  }
0x62: {  	_ =	shalt  }
0x63: {  	_ =	shalt  }
0x64: {  	_ =	shalt  }
0x65: {  	_ =	shalt  }
0x66: {  	_ =	shalt  }
0x67: {  	_ =	shalt  }
0x68: {  	_ =	shalt  }
0x69: {  	_ =	shalt  }
0x6a: {  	_ =	shalt  }
0x6b: {  	_ =	shalt  }
0x6c: {  	_ =	shalt  }
0x6d: {  	_ =	shalt  }
0x6e: {  	_ =	shalt  }
0x6f: {  	_ =	shalt  }
0x70: {  	_ =	shalt  }
0x71: {  	_ =	shalt  }
0x72: {  	_ =	shalt  }
0x73: {  	_ =	shalt  }
0x74: {  	_ =	shalt  }
0x75: {  	_ =	shalt  }
0x76: {  	_ =	shalt  }
0x77: {  	_ =	shalt  }
0x78: {  	_ =	shalt  }
0x79: {  	_ =	shalt  }
0x7a: {  	_ =	shalt  }
0x7b: {  	_ =	shalt  }
0x7c: {  	_ =	shalt  }
0x7d: {  	_ =	shalt  }
0x7e: {  	_ =	shalt  }
0x7f: {  	_ =	shalt  }
0x80: {  	_ =	shalt  }
0x81: {  	_ =	shalt  }
0x82: {  	_ =	shalt  }
0x83: {  	_ =	shalt  }
0x84: {  	_ =	shalt  }
0x85: {  	_ =	shalt  }
0x86: {  	_ =	shalt  }
0x87: {  	_ =	shalt  }
.Lfunc_end0:
.L_simem_size_0:
called_computation_lowered:
.L_overlay_start_0:
0x88: {  	s2 =	sld [smem:$0x3FD9]  }
0x89: {  	s3 =	sld [smem:$0x3FFE];
	_ =	sdelay $0x1  }
0x8a: {  	s1 =	srdreg.scid  }
0x8b: {  	s0 =	sand.u32 $0x1, s1  }
0x8c: {  	s17 =	sshll.u32 s0, $0xA;
	s2 =	sadd.s32 s3, s2  }
0x8d: {  	s2 =	sadd.s32 s2, s17  }
0x8e: {  	[smem:$0x3FC5] =	sst s2  }
0x8f: {  	_ = 	snop  }
0x90: {  	s2 =	sld [smem:$0x3FC8]  }
0x91: {  	s18 =	sld [smem:$0x3FC7]  }
0x92: {  	s4 =	sld [smem:$0x3FD0];
	(tm) =	ssettm $0x1  }
0x93: {  	s5 =	sld [smem:$0x3FFB];
	_ =	sdelay $0x3  }
0x94: {  	_ =	strace s5  }
0x95: {  	s5 =	sld [smem:$0x3FFC];
	_ =	sdelay $0x3  }
0x96: {  	_ =	strace s5  }
0x97: {  	s5 =	sld [smem:$0x3FFD];
	_ =	sdelay $0x3  }
0x98: {  	_ =	strace s5  }
0x99: {  	_ =	strace $0x8FFFFFFF  }
0x9a: {  	s19 =	sld [smem:$0x3FDB];
	_ =	sdelay $0x1  }
0x9b: {  	s6 =	simm.s32 $_scs_section_size  }
0x9c: {  	s7 =	simm.s32 $_size__tile_overlayer_lowered;
	s8 =	simm.s32 $_tile_overlayer_lowered  }
0x9d: {  	s22 =	simm.s32 $0x1BFF;
	s21 =	sshll.u32 s8, $0x1;
	s5 =	sadd.s32 s6, s19  }
0x9e: {  	s9 =	simm.s32 $0x0;
	s20 =	sshll.u32 s7, $0x1;
	s7 =	sadd.s32 s21, s5  }
0x9f: {  	[timem:s9], [sflag:s22] =	dma.local [hbm:s7], s20  }
0xa0: {  	_ =	swait.ge [sflag:s22], s20  }
0xa1: {  	s6 =	ssub.s32 $0x0, s20;
	[sflag:s22] =	ssyncset.done $0x0  }
0xa2: {  	[sflag:s22] =	ssyncadd.s32 s6;
	_ =	sdelay $0x1  }
0xa3: {  	s23 =	simm.s32 $0x1B8B  }
0xa4: {  	_ =	swait.ge [sflag:s23], $0x1  }
0xa5: {  	[sflag:s23] =	ssyncset.done $0x0  }
0xa6: {  	s25 =	simm.s32 $0x1B8E;
	s24 =	sld [smem:$0x3FFE];
	[sflag:s23] =	ssyncadd.s32 $0xFFFFFFFF  }
0xa7: {  	s26 =	simm.s32 $execute0_lowered;
	[smem:$0x3FD2] =	sst s25  }
0xa8: {  	s7 =	sshll.u32 s26, $0x1;
	_ =	strace $0x80000046;
	[dreg:$0x1] =	wrdreg $0xFFFFFFFF  }
0xa9: {  	s28 =	simm.s32 $_size_execute0_lowered;
	s5 =	sadd.s32 s5, s7;
	[dreg:$0x0] =	wrdreg $0x0  }
0xaa: {  	s7 =	sshll.u32 s28, $0x1;
	[dreg:$0x2] =	wrdreg s5  }
0xab: {  	[dreg:$0x3] =	wrdreg s7  }
0xac: {  	[dreg:$0x4] =	wrdreg $0xC0  }
0xad: {  	_ =	task [dreg:s9], $0x5FFFF  }
0xae: {  	[dreg:$0x1] =	wrdreg $0xFFFFFFFF  }
0xaf: {  	[dreg:$0x0] =	wrdreg $0x60  }
0xb0: {  	[dreg:$0x2] =	wrdreg s24  }
0xb1: {  	[dreg:$0x3] =	wrdreg s4  }
0xb2: {  	[dreg:$0x4] =	wrdreg s2  }
0xb3: {  	[dreg:$0x5] =	wrdreg s18  }
0xb4: {  	[dreg:$0x6] =	wrdreg $0x84000  }
0xb5: {  	[dreg:$0x7] =	wrdreg $0x9  }
0xb6: {  	_ =	task.clear_ibuf [dreg:s9], $0x8FFFF;
	_ =	strace $0x90000046  }
0xb7: {  	s29 =	simm.s32 $0x9;
	_ =	strace $0x80000048  }
0xb8: {  	_ =	swait.ge [sflag:s29], $0x1  }
0xb9: {  	[sflag:s29] =	ssyncadd.s32 $0xFFFFFFFF  }
0xba: {  	_ =	strace $0x90000048  }
0xbb: {  	_ =	sfence  }
0xbc: {  	s30 =	sld [smem:$0x0];
	_ =	sdelay $0x2  }
0xbd: {  	s31 =	sshll.u32 s1, $0xD;
	s1 =	sshrl.u32 s1, $0x2  }
0xbe: {  	s3 =	sand.u32 $0x4000, s31;
	s1 =	sadd.s32 s1, s30  }
0xbf: {  	s0 =	sor.u32 s3, s0;
	s1 =	sshll.u32 s1, $0x11  }
0xc0: {  	s0 =	sor.u32 s1, s0  }
0xc1: {  	s0 =	sadd.s32 $0x8F2B, s0  }
0xc2: {  	[sflag:s0] =	ssyncadd.remote.s32 $0x1  }
0xc3: {  	_ =	sfence.sel $0xFFFF  }
0xc4: {  	[dreg:$0x0] =	wrdreg $0xFFFFFFFF;
	(pc) =	sbr.abs _section_cstart, $3  }
0xc5: {  	[dreg:$0x1] =	wrdreg $0xFFFFFFFF  }
0xc6: {  	_ =	task.clear_ibuf [dreg:s9], $0x2FFFF;
	_ =	strace $0x9FFFFFFF  }
0xc7: {  	(tm) =	ssettm $0x7FFFFFFF  }
tec
execute0_lowered:
.L_overlay_start_1:
0x0: {  	(tag) =	ssettag $0x1  }
0x1: {  	s1 =	rddreg [dreg:$0x0]  }
0x2: {  	s2 =	rddreg [dreg:$0x1]  }
0x3: {  	s3 =	rddreg [dreg:$0x2]  }
0x4: {  	s0 =	srdreg.scid;
	s25 =	stileid.u32  }
0x5: {  	s4 =	rddreg [dreg:$0x3];
	s0 =	sand.u32 $0x1, s0;
	s8 =	smul.u32 $0x2800, s25  }
0x6: {  	s5 =	rddreg [dreg:$0x4];
	s9 =	sor.u32 $0x10, s25;
	s6 =	smul.u32 $0x138800, s0  }
0x7: {  	s7 =	simm.s32 $0x0;
	s11 =	sor.u32 $0x20, s25;
	s12 =	smul.u32 $0x2800, s9  }
0x8: {  	[smem:$0x7FF] =	sst s7;
	s14 =	sor.u32 $0x30, s25;
	s15 =	smul.u32 $0x2800, s11  }
0x9: {  	s17 =	sshll.u32 s25, $0x1;
	s18 =	sor.u32 $0x50, s25;
	s16 =	smul.u32 $0x2800, s14  }
0xa: {  	s21 =	sor.u32 $0x70, s25;
	s10 =	ssub.s32 $0x2, s0;
	s20 =	smul.u32 $0x2800, s18  }
0xb: {  	s0 =	sor.u32 s0, s17;
	s17 =	sor.u32 $0x60, s25;
	s23 =	smul.u32 $0x2800, s21  }
0xc: {  	s9 =	smul.u32 $0xA000, s9;
	p0 =	sgt.u32 s21, $0x7C;
	s13 =	sshrl.u32 s10, $0x1  }
0xd: {  	s26 =	smul.u32 $0x2800, s17;
	s10 =	ssub.s32 s10, s13;
	s13 =	sor.u32 $0x40, s25  }
0xe: {  	s22 =	sadd.s32 s6, s8;
	s12 =	sadd.s32 s6, s12;
	s15 =	sadd.s32 s6, s15  }
0xf: {  	s16 =	sadd.s32 s6, s16;
	s20 =	sadd.s32 s6, s20;
	s19 =	smul.u32 $0x2800, s13  }
0x10: {  	s24 =	sadd.s32 s6, s26;
	s22 =	sshrl.u32 s22, $0x3;
	s12 =	sshrl.u32 s12, $0x3  }
0x11: {  	s19 =	sadd.s32 s6, s19;
	s6 =	sadd.s32 s6, s23;
	s23 =	sadd.s32 $0x9E00, s1  }
0x12: {  	s8 =	smul.u32 $0x2710, s0;
	s0 =	sadd.s32 s23, s22;
	s26 =	sadd.s32 s23, s12  }
0x13: {  	s12 =	sshrl.u32 s15, $0x3;
	s15 =	sshrl.u32 s16, $0x3;
	[dreg:$0x6] =	wrdreg s0  }
0x14: {  	s16 =	sshrl.u32 s19, $0x3;
	[dreg:$0x7] =	wrdreg s26;
	s0 =	sadd.s32 s23, s12  }
0x15: {  	s6 =	sshrl.u32 s6, $0x3;
	s19 =	sadd.s32 s23, s16;
	[dreg:$0x8] =	wrdreg s0  }
0x16: {  	s25 =	smul.u32 $0xA000, s25;
	s6 =	sadd.s32 s23, s6;
	[dreg:$0xa] =	wrdreg s19  }
0x17: {  	s22 =	sshrl.u32 s20, $0x3;
	s0 =	sadd.s32 s23, s15;
	[dreg:$0xd] =	wrdreg s6  }
0x18: {  	s26 =	sshrl.u32 s24, $0x3;
	[dreg:$0x9] =	wrdreg s0;
	s0 =	sadd.s32 s23, s22  }
0x19: {  	s12 =	sshrl.u32 s8, $0x3;
	[dreg:$0xb] =	wrdreg s0;
	s0 =	sadd.s32 s23, s26  }
0x1a: {  	s10 =	smax.u32 s10, $0x1;
	s15 =	sadd.s32 s1, s12;
	[dreg:$0xc] =	wrdreg s0  }
0x1b: {  	s16 =	sadd.s32 s2, s12;
	_ =	strace $0x80000047;
	[dreg:$0xe] =	wrdreg s15  }
0x1c: {  	s19 =	sadd.s32 s3, s12;
	s20 =	sadd.s32 $0xA, s12;
	[dreg:$0xf] =	wrdreg s16  }
0x1d: {  	s22 =	sadd.s32 s1, s20;
	s6 =	sadd.s32 s3, s20;
	[dreg:$0x10] =	wrdreg s19  }
0x1e: {  	s23 =	sadd.s32 s2, s20;
	s20 =	smul.u32 $0xA000, s18;
	[dreg:$0x11] =	wrdreg s22  }
0x1f: {  	s18 =	simm.s32 $0xD;
	s0 =	sadd.s32 $0x14, s12;
	[dreg:$0x12] =	wrdreg s23  }
0x20: {  	s12 =	smul.u32 $0xA000, s11;
	s11 =	simm.s32 $0xC00;
	[dreg:$0x13] =	wrdreg s6  }
0x21: {  	s24 =	sadd.s32 s1, s0;
	s26 =	sadd.s32 s2, s0;
	s0 =	sadd.s32 s3, s0  }
0x22: {  	[dreg:$0x17] =	wrdreg s10;
	s6 =	sshrl.u32 s25, $0x2;
	s15 =	smul.u32 $0xA000, s14  }
0x23: {  	s16 =	sshrl.u32 s9, $0x2;
	s19 =	smul.u32 $0xA000, s13;
	[dreg:$0x14] =	wrdreg s24  }
0x24: {  	s23 =	smul.u32 $0xA000, s17;
	s13 =	simm.s32 $0x800;
	[dreg:$0x15] =	wrdreg s26  }
0x25: {  	s14 =	simm.s32 $0x1;
	s17 =	simm.s32 $0xA;
	[dreg:$0x16] =	wrdreg s0  }
0x26: {  	s28 =	sadd.s32 s6, s5;
	s29 =	sadd.s32 s16, s5;
	s0 =	sshrl.u32 s12, $0x2  }
0x27: {  	s24 =	smul.u32 $0xA000, s21;
	s6 =	sshrl.u32 s20, $0x2;
	s12 =	simm.s32 $0xC  }
0x28: {  	s30 =	sadd.s32 s0, s5;
	s22 =	sshrl.u32 s15, $0x2;
	s9 =	sshrl.u32 s19, $0x2  }
0x29: {  	s6 =	sadd.s32 s6, s5;
	s25 =	sshrl.u32 s23, $0x2;
	s15 =	simm.s32 $0x50  }
0x2a: {  	s19 =	simm.s32 $0x0;
	s31 =	sadd.s32 s22, s5;
	s26 =	sshrl.u32 s24, $0x2  }
0x2b: {  	v0 =	vimm.f32 $0.0e+00;
	s0 =	sadd.s32 s9, s5;
	s9 =	sadd.s32 s25, s5;
	s10 =	sadd.s32 s26, s5  }
.LBB2_1:
0x2c: {  	s20 =	simm.s32 $0x0;
	s21 =	simm.s32 $0x200  }
.LBB2_2:
0x2d: {  	p1 =	sne.s32 s21, $0x9E00;
	[tilespmem:s20+$0xC70] =	vst v0  }
0x2e: {  	[tilespmem:s20+$0xC00] =	vst v0  }
0x2f: {  	[tilespmem:s20+$0xC10] =	vst v0  }
.Ltmp0:
0x30: {  	[tilespmem:s20+$0xC20] =	vst v0;
	(pc) =	sbr.rel @p1 .LBB2_2-.Ltmp0, $4  }
0x31: {  	[tilespmem:s20+$0xC30] =	vst v0  }
0x32: {  	[tilespmem:s20+$0xC40] =	vst v0  }
0x33: {  	[tilespmem:s20+$0xC50] =	vst v0  }
0x34: {  	[tilespmem:s20+$0xC60] =	vst v0;
	s20 =	sshra.s32 s21, $0x2;
	s21 =	sadd.s32 $0x200, s21  }
0x35: {  	[tilespmem:s20+$0xC70] =	vst v0  }
0x36: {  	[tilespmem:s20+$0xC00] =	vst v0  }
0x37: {  	[tilespmem:s20+$0xC10] =	vst v0  }
0x38: {  	[tilespmem:s20+$0xC20] =	vst v0  }
0x39: {  	[tilespmem:s20+$0xC30] =	vst v0  }
0x3a: {  	[tilespmem:s20+$0xC40] =	vst v0  }
0x3b: {  	[tilespmem:s20+$0xC50] =	vst v0  }
0x3c: {  	[tilespmem:s20+$0xC60] =	vst v0  }
0x3d: {  	[spmem:s28] =	stream.linear.scatter [tilespmem:s11], [sflag:$0xC], $0x2800, $0x38;
	[tilespmem:$0x1BC80] =	vst v63  }
0x3e: {  	_ =	swait.ge [sflag:s12], $0x2800  }
0x3f: {  	[sflag:s12] =	ssyncset.done $0x0  }
0x40: {  	[sflag:s12] =	ssyncadd.s32 $0xFFFFD800  }
0x41: {  	[spmem:s29] =	stream.linear.scatter [tilespmem:s11], [sflag:$0xC], $0x2800, $0x38;
	[tilespmem:$0x1BC80] =	vst v63  }
0x42: {  	_ =	swait.ge [sflag:s12], $0x2800  }
0x43: {  	[sflag:s12] =	ssyncset.done $0x0  }
0x44: {  	[sflag:s12] =	ssyncadd.s32 $0xFFFFD800  }
0x45: {  	[spmem:s30] =	stream.linear.scatter [tilespmem:s11], [sflag:$0xC], $0x2800, $0x38;
	[tilespmem:$0x1BC80] =	vst v63  }
0x46: {  	_ =	swait.ge [sflag:s12], $0x2800  }
0x47: {  	[sflag:s12] =	ssyncset.done $0x0  }
0x48: {  	[sflag:s12] =	ssyncadd.s32 $0xFFFFD800  }
0x49: {  	[spmem:s31] =	stream.linear.scatter [tilespmem:s11], [sflag:$0xC], $0x2800, $0x38;
	[tilespmem:$0x1BC80] =	vst v63  }
0x4a: {  	_ =	swait.ge [sflag:s12], $0x2800  }
0x4b: {  	[sflag:s12] =	ssyncset.done $0x0  }
0x4c: {  	[sflag:s12] =	ssyncadd.s32 $0xFFFFD800  }
0x4d: {  	[spmem:s0] =	stream.linear.scatter [tilespmem:s11], [sflag:$0xC], $0x2800, $0x38;
	[tilespmem:$0x1BC80] =	vst v63  }
0x4e: {  	_ =	swait.ge [sflag:s12], $0x2800  }
0x4f: {  	[sflag:s12] =	ssyncset.done $0x0  }
0x50: {  	[sflag:s12] =	ssyncadd.s32 $0xFFFFD800  }
0x51: {  	[spmem:s6] =	stream.linear.scatter [tilespmem:s11], [sflag:$0xC], $0x2800, $0x38;
	[tilespmem:$0x1BC80] =	vst v63  }
0x52: {  	_ =	swait.ge [sflag:s12], $0x2800  }
0x53: {  	[sflag:s12] =	ssyncset.done $0x0  }
0x54: {  	[sflag:s12] =	ssyncadd.s32 $0xFFFFD800  }
0x55: {  	[spmem:s9] =	stream.linear.scatter [tilespmem:s11], [sflag:$0xC], $0x2800, $0x38;
	[tilespmem:$0x1BC80] =	vst v63  }
0x56: {  	_ =	swait.ge [sflag:s12], $0x2800  }
0x57: {  	[sflag:s12] =	ssyncset.done $0x0  }
0x58: {  	s16 =	simm.s32 @!p0 $0xC00;
	[sflag:s12] =	ssyncadd.s32 $0xFFFFD800  }
0x59: {  	[spmem:s10] =	stream.linear.scatter @!p0 [tilespmem:s16], [sflag:$0xC], $0x2800, $0x38;
	[tilespmem:$0x1BC80] =	vst v63  }
0x5a: {  	s16 =	simm.s32 @!p0 $0xC  }
0x5b: {  	_ =	swait.ge @!p0 [sflag:s16], $0x2800  }
0x5c: {  	[sflag:s16] =	ssyncset.done @!p0 $0x0  }
0x5d: {  	[sflag:s16] =	ssyncadd.s32 @!p0 $0xFFFFD800  }
0x5e: {  	[bflag:$0x0] =	sbarrier.arrive $0xFFFF  }
0x5f: {  	s22 =	simm.s32 $0x0;
	s23 =	rddreg [dreg:$0xe]  }
0x60: {  	[tilespmem:s22], [sflag:$0x1] =	stream.linear.gather [hbm4b:s23+s22], $0x50, $0x38;
	[tilespmem:$0x1BC80] =	vst v63  }
0x61: {  	s25 =	simm.s32 $0x400;
	s24 =	rddreg [dreg:$0xf]  }
0x62: {  	[tilespmem:s25], [sflag:$0x1] =	stream.linear.gather [hbm4b:s24+s22], $0x50, $0x38;
	[tilespmem:$0x1BC80] =	vst v63  }
0x63: {  	s26 =	rddreg [dreg:$0x10]  }
0x64: {  	[tilespmem:s13], [sflag:$0x1] =	stream.linear.gather [hbm4b:s26+s22], $0x50, $0x38;
	[tilespmem:$0x1BC80] =	vst v63  }
0x65: {  	s21 =	simm.s32 $0x80;
	s20 =	rddreg [dreg:$0x11]  }
0x66: {  	[tilespmem:s21], [sflag:$0x2] =	stream.linear.gather [hbm4b:s20+s22], $0x50, $0x38;
	[tilespmem:$0x1BC80] =	vst v63  }
0x67: {  	s23 =	rddreg [dreg:$0x12];
	s24 =	simm.s32 $0x480  }
0x68: {  	[tilespmem:s24], [sflag:$0x2] =	stream.linear.gather [hbm4b:s23+s22], $0x50, $0x38;
	[tilespmem:$0x1BC80] =	vst v63  }
0x69: {  	s25 =	rddreg [dreg:$0x13];
	s26 =	simm.s32 $0x880  }
0x6a: {  	[tilespmem:s26], [sflag:$0x2] =	stream.linear.gather [hbm4b:s25+s22], $0x50, $0x38;
	[tilespmem:$0x1BC80] =	vst v63  }
0x6b: {  	s20 =	rddreg [dreg:$0x14];
	s21 =	simm.s32 $0x100  }
0x6c: {  	[tilespmem:s21], [sflag:$0x3] =	stream.linear.gather [hbm4b:s20+s22], $0x50, $0x38;
	[tilespmem:$0x1BC80] =	vst v63  }
0x6d: {  	s23 =	rddreg [dreg:$0x15];
	s24 =	simm.s32 $0x500  }
0x6e: {  	[tilespmem:s24], [sflag:$0x3] =	stream.linear.gather [hbm4b:s23+s22], $0x50, $0x38;
	[tilespmem:$0x1BC80] =	vst v63  }
0x6f: {  	s25 =	rddreg [dreg:$0x16];
	s26 =	simm.s32 $0x900  }
0x70: {  	[tilespmem:s26], [sflag:$0x3] =	stream.linear.gather [hbm4b:s25+s22], $0x50, $0x38;
	[tilespmem:$0x1BC80] =	vst v63  }
0x71: {  	_ =	swait.ge [sflag:s14], $0x50  }
0x72: {  	[sflag:s14] =	ssyncset.done $0x0  }
0x73: {  	[sflag:s14] =	ssyncadd.s32 $0xFFFFFFB0  }
0x74: {  	_ =	swait.ge [sflag:s14], $0x50  }
0x75: {  	[sflag:s14] =	ssyncset.done $0x0  }
0x76: {  	[sflag:s14] =	ssyncadd.s32 $0xFFFFFFB0  }
0x77: {  	_ =	swait.ge [sflag:s14], $0x50  }
0x78: {  	[sflag:s14] =	ssyncset.done $0x0  }
0x79: {  	[sflag:s14] =	ssyncadd.s32 $0xFFFFFFB0  }
0x7a: {  	[tilespmem:s11], [sflag:$0x6] =	stream.indirect.gather [hbm4b:s4+s15], $0x80, s22, s15, $0xb8;
	[tilespmem:$0x1BC80] =	vst v63  }
.LBB2_4:
0x7b: {  	p1 =	slt.u32 s22, $0x2  }
0x7c: {  	s16 =	sadd.s32 @!p1 $0xFFFFFFFE, s22  }
0x7d: {  	s20 =	sand.u32 @!p1 $0xFF, s16  }
0x7e: {  	s20 =	smul.u32 @!p1 $0xAB, s20;
	_ =	sdelay $0x1  }
0x7f: {  	s20 =	sshrl.u32 @!p1 s20, $0x9  }
0x80: {  	s20 =	smul.u32 @!p1 $0x3, s20  }
0x81: {  	p2 =	seq.s32 @!p1 s22, $0x7C  }
0x82: {  	p2 =	por p1, !p2;
	s16 =	ssub.s32 @!p1 s16, s20  }
.Ltmp1:
0x83: {  	s16 =	sand.u32 @!p1 $0xFF, s16;
	(pc) =	sbr.rel @!p2 .LBB2_6-.Ltmp1, $4  }
0x84: {  	s16 =	sadd.s32 @!p1 $0x9, s16  }
0x85: {  	_ =	swait.ge @!p1 [sflag:s16], $0x2800  }
0x86: {  	[sflag:s16] =	ssyncset.done @!p1 $0x0  }
0x87: {  	s20 =	simm.s32 @!p1 $0x7D;
	[sflag:s16] =	ssyncadd.s32 @!p1 $0xFFFFD800  }
0x88: {  	s20 =	sadd.s32 $0x1, s22  }
0x89: {  	s16 =	smul.u32 $0xCD, s20;
	_ =	sdelay $0x1  }
0x8a: {  	s16 =	sshrl.u32 s16, $0xA  }
0x8b: {  	s16 =	sand.u32 $0x3F, s16  }
0x8c: {  	s16 =	smul.u32 $0x5, s16;
	_ =	sdelay $0x1  }
0x8d: {  	s21 =	smul.u32 $0xAB, s20;
	s16 =	ssub.s32 s20, s16  }
0x8e: {  	s16 =	sand.u32 $0xFF, s16  }
0x8f: {  	s21 =	sshrl.u32 s21, $0x9;
	s23 =	sadd.s32 $0x1, s16  }
0x90: {  	s21 =	sand.u32 $0x7F, s21;
	_ =	swait.ge [sflag:s23], $0x50  }
0x91: {  	s21 =	smul.u32 $0x3, s21;
	[sflag:s23] =	ssyncset.done $0x0  }
0x92: {  	[sflag:s23] =	ssyncadd.s32 $0xFFFFFFB0  }
0x93: {  	s21 =	ssub.s32 s20, s21;
	_ =	swait.ge [sflag:s23], $0x50  }
0x94: {  	s21 =	sand.u32 $0xFF, s21;
	[sflag:s23] =	ssyncset.done $0x0  }
0x95: {  	p1 =	sgt.u32 s22, $0x79;
	s24 =	smul.u32 $0xA000, s21;
	[sflag:s23] =	ssyncadd.s32 $0xFFFFFFB0  }
0x96: {  	s16 =	sshll.u32 s16, $0x7;
	s21 =	sadd.s32 $0x6, s21;
	_ =	swait.ge [sflag:s23], $0x50  }
0x97: {  	s26 =	sshrl.u32 s24, $0x2;
	s24 =	sadd.s32 @!p1 $0x3, s22;
	[sflag:s23] =	ssyncset.done $0x0  }
0x98: {  	s25 =	smul.u32 @!p1 $0xCD, s24;
	[sflag:s23] =	ssyncadd.s32 $0xFFFFFFB0;
	s23 =	sadd.s32 $0xC00, s26  }
0x99: {  	[tilespmem:s23], [sflag:s21] =	stream.indirect.gather [hbm4b:s4+s15], $0x80, s16, s15, $0xb8;
	[tilespmem:$0x1BC80] =	vst v63  }
0x9a: {  	s16 =	sshrl.u32 @!p1 s25, $0xA  }
0x9b: {  	s21 =	smul.u32 @!p1 $0x50, s24;
	s16 =	sand.u32 @!p1 $0x3F, s16  }
0x9c: {  	s16 =	smul.u32 @!p1 $0x5, s16;
	_ =	sdelay $0x1  }
0x9d: {  	s21 =	sadd.s32 @!p1 s8, s21;
	s16 =	ssub.s32 @!p1 s24, s16  }
0x9e: {  	s25 =	simm.s32 @!p1 $0x0;
	s21 =	sshrl.u32 @!p1 s21, $0x3;
	s16 =	sand.u32 @!p1 $0xFF, s16  }
0x9f: {  	s24 =	sadd.s32 @!p1 s1, s21;
	s23 =	sadd.s32 @!p1 $0x1, s16;
	s16 =	sshll.u32 @!p1 s16, $0x7  }
0xa0: {  	[tilespmem:s16], [sflag:s23] =	stream.linear.gather @!p1 [hbm4b:s24+s25], $0x50, $0x38;
	[tilespmem:$0x1BC80] =	vst v63  }
0xa1: {  	s26 =	sadd.s32 @!p1 s2, s21;
	s24 =	sor.u32 @!p1 $0x400, s16  }
0xa2: {  	[tilespmem:s24], [sflag:s23] =	stream.linear.gather @!p1 [hbm4b:s26+s25], $0x50, $0x38;
	[tilespmem:$0x1BC80] =	vst v63  }
0xa3: {  	s21 =	sadd.s32 @!p1 s3, s21;
	s16 =	sor.u32 @!p1 $0x800, s16  }
0xa4: {  	[tilespmem:s16], [sflag:s23] =	stream.linear.gather @!p1 [hbm4b:s21+s25], $0x50, $0x38;
	[tilespmem:$0x1BC80] =	vst v63  }
.LBB2_6:
0xa5: {  	s16 =	sand.u32 $0xFF, s22  }
0xa6: {  	s21 =	smul.u32 $0xCD, s16;
	_ =	sdelay $0x1  }
0xa7: {  	s16 =	smul.u32 $0xAB, s16;
	s21 =	sshrl.u32 s21, $0xA  }
0xa8: {  	s21 =	smul.u32 $0x5, s21;
	_ =	sdelay $0x1  }
0xa9: {  	s16 =	sshrl.u32 s16, $0x9;
	s21 =	ssub.s32 s22, s21  }
0xaa: {  	s23 =	simm.s32 $0x0;
	s16 =	smul.u32 $0x3, s16;
	s21 =	sand.u32 $0xFF, s21  }
0xab: {  	s24 =	simm.s32 $0x3;
	v1 =	vmov s23;
	s21 =	sshll.u32 s21, $0x7  }
0xac: {  	v3 =	vmov s24;
	v1 =	vand.u32 $0x7C, v1;
	s16 =	ssub.s32 s22, s16;
	v2 =	vmov s21  }
0xad: {  	v3 =	vand.u32 $0x7F, v3;
	s22 =	sand.u32 $0xFF, s16;
	v1 =	vor.u32 v2, v1  }
0xae: {  	s16 =	sadd.s32 $0x6, s22;
	s25 =	smul.u32 $0xA000, s22;
	v3 =	vor.u32 v2, v3;
	v1 =	vbroadcast v1, $0x0  }
0xaf: {  	_ =	swait.ge [sflag:s16], $0x2800;
	v3 =	vbroadcast v3, $0x0  }
0xb0: {  	[sflag:s16] =	ssyncset.done $0x0;
	s23 =	sshrl.u32 s25, $0x2  }
0xb1: {  	[sflag:s16] =	ssyncadd.s32 $0xFFFFD800;
	s24 =	sadd.s32 $0xD00, s23  }
0xb2: {  	v6 =	vld [tilespmem:s24+$0xFFFFFF00]  }
0xb3: {  	s26 =	simm.s32 $0x1;
	v7 =	vld [tilespmem:s24+$0xFFFFFF10]  }
0xb4: {  	v5 =	vmov s26;
	v4 =	vld.idx.msk [tilespmem:v1+s13+$0x0], $0xffff  }
0xb5: {  	v1 =	vld.idx.msk [tilespmem:v3+s13+$0x0], $0xffff;
	v3 =	vand.u32 $0x7D, v5  }
0xb6: {  	v8 =	vld [tilespmem:s24+$0xFFFFFF20];
	v3 =	vor.u32 v2, v3  }
0xb7: {  	v5 =	vld [tilespmem:s24+$0xF0];
	v3 =	vbroadcast v3, $0x0  }
0xb8: {  	v9 =	vld [tilespmem:s24+$0xFFFFFF30]  }
0xb9: {  	v10 =	vld [tilespmem:s24+$0xFFFFFF40]  }
0xba: {  	v11 =	vld [tilespmem:s24+$0xFFFFFF50];
	v6 =	vmul.f32 v6, v4  }
0xbb: {  	v12 =	vld [tilespmem:s24+$0xFFFFFF60]  }
0xbc: {  	s25 =	simm.s32 $0x2;
	v5 =	vmul.f32 v5, v1;
	[tilespmem:s24+$0xFFFFFF00] =	vst v6;
	v6 =	vld [tilespmem:s24+$0xFFFFFF70]  }
0xbd: {  	v13 =	vmov s25;
	v7 =	vmul.f32 v7, v4;
	v14 =	vld.idx.msk [tilespmem:v3+s13+$0x0], $0xffff  }
0xbe: {  	[tilespmem:s24+$0xF0] =	vst v5;
	v5 =	vmul.f32 v8, v4;
	v3 =	vand.u32 $0x7E, v13;
	v13 =	vld [tilespmem:s24+$0xFFFFFF80]  }
0xbf: {  	v8 =	vld [tilespmem:s24+$0xFFFFFF90];
	[tilespmem:s24+$0xFFFFFF10] =	vst v7;
	v7 =	vmul.f32 v9, v4;
	v3 =	vor.u32 v2, v3  }
0xc0: {  	v9 =	vld [tilespmem:s24+$0xFFFFFFA0];
	[tilespmem:s24+$0xFFFFFF20] =	vst v5;
	v5 =	vmul.f32 v10, v4;
	v3 =	vbroadcast v3, $0x0  }
0xc1: {  	v10 =	vld [tilespmem:s24+$0xFFFFFFB0];
	[tilespmem:s24+$0xFFFFFF30] =	vst v7;
	v7 =	vmul.f32 v11, v4  }
0xc2: {  	v12 =	vmul.f32 v12, v4;
	v11 =	vld [tilespmem:s24+$0xFFFFFFC0];
	[tilespmem:s24+$0xFFFFFF40] =	vst v5;
	v4 =	vmul.f32 v6, v4  }
0xc3: {  	[tilespmem:s24+$0xFFFFFF50] =	vst v7;
	v7 =	vld [tilespmem:s24+$0xFFFFFFE0];
	v5 =	vmul.f32 v13, v14  }
0xc4: {  	v13 =	vld [tilespmem:s24+$0xFFFFFFD0];
	[tilespmem:s24+$0xFFFFFF70] =	vst v4  }
0xc5: {  	v4 =	vmul.f32 v9, v14;
	[tilespmem:s24+$0xFFFFFF80] =	vst v5;
	v5 =	vmul.f32 v8, v14;
	v8 =	vld [tilespmem:s24+$0x0]  }
0xc6: {  	[tilespmem:s24+$0xFFFFFF60] =	vst v12;
	v3 =	vld.idx.msk [tilespmem:v3+s13+$0x0], $0xffff  }
0xc7: {  	v6 =	vld [tilespmem:s24+$0xFFFFFFF0];
	[tilespmem:s24+$0xFFFFFFA0] =	vst v4;
	v4 =	vmul.f32 v11, v14  }
0xc8: {  	v9 =	vld [tilespmem:s24+$0x10];
	[tilespmem:s24+$0xFFFFFF90] =	vst v5;
	v5 =	vmul.f32 v10, v14  }
0xc9: {  	s26 =	simm.s32 $0x4;
	v7 =	vmul.f32 v7, v14;
	v10 =	vld [tilespmem:s24+$0x20];
	[tilespmem:s24+$0xFFFFFFC0] =	vst v4  }
0xca: {  	v12 =	vmov s26;
	v11 =	vld [tilespmem:s24+$0x30];
	[tilespmem:s24+$0xFFFFFFB0] =	vst v5;
	v5 =	vmul.f32 v13, v14  }
0xcb: {  	v12 =	vand.u32 $0x7C, v12;
	v4 =	vld [tilespmem:s24+$0x40];
	[tilespmem:s24+$0xFFFFFFE0] =	vst v7;
	v8 =	vmul.f32 v8, v3  }
0xcc: {  	s25 =	simm.s32 $0x5;
	s26 =	simm.s32 $0x6;
	v7 =	vor.u32 v2, v12;
	v13 =	vmul.f32 v6, v14;
	[tilespmem:s24+$0xFFFFFFD0] =	vst v5;
	v5 =	vld [tilespmem:s24+$0x50]  }
0xcd: {  	v14 =	vmov s25;
	v6 =	vld [tilespmem:s24+$0x60];
	v9 =	vmul.f32 v9, v3;
	[tilespmem:s24+$0x0] =	vst v8;
	v8 =	vmov s26  }
0xce: {  	s23 =	sadd.s32 $0xC00, s23;
	[tilespmem:s24+$0xFFFFFFF0] =	vst v13;
	v13 =	vand.u32 $0x7D, v14;
	v10 =	vmul.f32 v10, v3;
	v12 =	vand.u32 $0x7E, v8;
	v8 =	vld [tilespmem:s24+$0x70]  }
0xcf: {  	s16 =	simm.s32 $0x7;
	v7 =	vbroadcast v7, $0x0;
	s25 =	smov.u32 s24;
	v11 =	vmul.f32 v11, v3;
	v13 =	vor.u32 v2, v13;
	s26 =	simm.s32 $0x8;
	[tilespmem:s24+$0x10] =	vst v9;
	v9 =	vld [tilespmem:s24+$0x80]  }
.LBB2_7:
0xd0: {  	p1 =	slt.u32 s26, $0x4C;
	v12 =	vor.u32 v2, v12;
	v14 =	vmov s16;
	[tilespmem:s24+$0x20] =	vst v10;
	v4 =	vmul.f32 v4, v3;
	v10 =	vld [tilespmem:s24+$0x90]  }
0xd1: {  	v13 =	vbroadcast v13, $0x0;
	v14 =	vand.u32 $0x7F, v14;
	[tilespmem:s24+$0x30] =	vst v11;
	v5 =	vmul.f32 v5, v3;
	v11 =	vld [tilespmem:s24+$0xA0]  }
0xd2: {  	v12 =	vbroadcast v12, $0x0;
	v14 =	vor.u32 v2, v14;
	[tilespmem:s24+$0x40] =	vst v4;
	v4 =	vmul.f32 v6, v3;
	v6 =	vld [tilespmem:s24+$0xB0]  }
0xd3: {  	v14 =	vbroadcast v14, $0x0;
	[tilespmem:s24+$0x50] =	vst v5;
	v3 =	vmul.f32 v8, v3;
	v5 =	vld [tilespmem:s24+$0xC0]  }
0xd4: {  	[tilespmem:s24+$0x60] =	vst v4;
	v4 =	vmul.f32 v9, v1;
	v8 =	vld [tilespmem:s24+$0xD0]  }
0xd5: {  	[tilespmem:s24+$0x70] =	vst v3;
	v3 =	vmul.f32 v10, v1;
	v9 =	vld [tilespmem:s24+$0xE0]  }
0xd6: {  	v7 =	vld.idx.msk [tilespmem:v7+s13+$0x0], $0xffff;
	[tilespmem:s24+$0x80] =	vst v4;
	v4 =	vmul.f32 v11, v1  }
0xd7: {  	v10 =	vld.idx.msk [tilespmem:v13+s13+$0x0], $0xffff;
	[tilespmem:s24+$0x90] =	vst v3;
	v6 =	vmul.f32 v6, v1  }
0xd8: {  	v3 =	vld.idx.msk [tilespmem:v12+s13+$0x0], $0xffff;
	[tilespmem:s24+$0xA0] =	vst v4;
	v4 =	vmul.f32 v5, v1  }
0xd9: {  	s24 =	sadd.s32 $0x200, s24;
	v5 =	vld.idx.msk [tilespmem:v14+s13+$0x0], $0xffff;
	[tilespmem:s25+$0xB0] =	vst v6;
	v6 =	vmul.f32 v8, v1  }
0xda: {  	v8 =	vld [tilespmem:s24+$0xF0];
	[tilespmem:s25+$0xC0] =	vst v4;
	v1 =	vmul.f32 v9, v1  }
0xdb: {  	v4 =	vld [tilespmem:s24+$0xFFFFFF00];
	[tilespmem:s25+$0xD0] =	vst v6  }
0xdc: {  	v6 =	vld [tilespmem:s24+$0xFFFFFF10];
	[tilespmem:s25+$0xE0] =	vst v1;
	s25 =	smov.u32 s24  }
0xdd: {  	v9 =	vld [tilespmem:s24+$0xFFFFFF20]  }
0xde: {  	v11 =	vld [tilespmem:s24+$0xFFFFFF30]  }
0xdf: {  	v1 =	vmov v5;
	v12 =	vld [tilespmem:s24+$0xFFFFFF40];
	v8 =	vmul.f32 v8, v5  }
0xe0: {  	v4 =	vmul.f32 v4, v7;
	v5 =	vld [tilespmem:s24+$0xFFFFFF50]  }
0xe1: {  	v6 =	vmul.f32 v6, v7;
	v13 =	vld [tilespmem:s24+$0xFFFFFF60];
	[tilespmem:s24+$0xF0] =	vst v8  }
0xe2: {  	[tilespmem:s24+$0xFFFFFF00] =	vst v4;
	v4 =	vmul.f32 v9, v7;
	v8 =	vld [tilespmem:s24+$0xFFFFFF70]  }
0xe3: {  	[tilespmem:s24+$0xFFFFFF10] =	vst v6;
	v6 =	vmul.f32 v11, v7;
	v9 =	vld [tilespmem:s24+$0xFFFFFF80]  }
0xe4: {  	[tilespmem:s24+$0xFFFFFF20] =	vst v4;
	v4 =	vmul.f32 v12, v7;
	v11 =	vld [tilespmem:s24+$0xFFFFFF90]  }
0xe5: {  	[tilespmem:s24+$0xFFFFFF30] =	vst v6;
	v5 =	vmul.f32 v5, v7;
	v6 =	vld [tilespmem:s24+$0xFFFFFFA0]  }
0xe6: {  	[tilespmem:s24+$0xFFFFFF40] =	vst v4;
	v4 =	vmul.f32 v13, v7;
	v12 =	vld [tilespmem:s24+$0xFFFFFFB0]  }
0xe7: {  	[tilespmem:s24+$0xFFFFFF50] =	vst v5;
	v5 =	vmul.f32 v8, v7;
	v7 =	vld [tilespmem:s24+$0xFFFFFFC0]  }
0xe8: {  	[tilespmem:s24+$0xFFFFFF60] =	vst v4;
	v4 =	vmul.f32 v9, v10;
	v8 =	vld [tilespmem:s24+$0xFFFFFFD0]  }
0xe9: {  	[tilespmem:s24+$0xFFFFFF70] =	vst v5;
	v5 =	vmul.f32 v11, v10;
	v9 =	vld [tilespmem:s24+$0xFFFFFFE0]  }
0xea: {  	[tilespmem:s24+$0xFFFFFF80] =	vst v4;
	v4 =	vmul.f32 v6, v10;
	v6 =	vld [tilespmem:s24+$0xFFFFFFF0]  }
0xeb: {  	[tilespmem:s24+$0xFFFFFF90] =	vst v5;
	v5 =	vmul.f32 v12, v10;
	v11 =	vld [tilespmem:s24+$0x0]  }
0xec: {  	[tilespmem:s24+$0xFFFFFFA0] =	vst v4;
	v4 =	vmul.f32 v7, v10;
	v7 =	vld [tilespmem:s24+$0x10]  }
0xed: {  	[tilespmem:s24+$0xFFFFFFB0] =	vst v5;
	v5 =	vmul.f32 v8, v10;
	v8 =	vld [tilespmem:s24+$0x20]  }
0xee: {  	[tilespmem:s24+$0xFFFFFFC0] =	vst v4;
	v9 =	vmul.f32 v9, v10;
	v14 =	vld [tilespmem:s24+$0x30]  }
.Ltmp2:
0xef: {  	s16 =	sadd.s32 $0x1, s26;
	v12 =	vmov s26;
	[tilespmem:s24+$0xFFFFFFD0] =	vst v5;
	v6 =	vmul.f32 v6, v10;
	v4 =	vld [tilespmem:s24+$0x40];
	(pc) =	sbr.rel @p1 .LBB2_7-.Ltmp2, $4  }
0xf0: {  	v10 =	vand.u32 $0x7C, v12;
	v12 =	vmov s16;
	s16 =	sadd.s32 $0x2, s26;
	[tilespmem:s24+$0xFFFFFFE0] =	vst v9;
	v9 =	vmul.f32 v11, v3;
	v5 =	vld [tilespmem:s24+$0x50]  }
0xf1: {  	v11 =	vor.u32 v2, v10;
	v10 =	vmov s16;
	[tilespmem:s24+$0xFFFFFFF0] =	vst v6;
	v15 =	vmul.f32 v7, v3;
	v6 =	vld [tilespmem:s24+$0x60]  }
0xf2: {  	v13 =	vand.u32 $0x7D, v12;
	v12 =	vand.u32 $0x7E, v10;
	[tilespmem:s24+$0x0] =	vst v9;
	v10 =	vmul.f32 v8, v3;
	v8 =	vld [tilespmem:s24+$0x70]  }
0xf3: {  	s16 =	sadd.s32 $0x3, s26;
	s26 =	sadd.s32 $0x4, s26;
	v7 =	vbroadcast v11, $0x0;
	v13 =	vor.u32 v2, v13;
	[tilespmem:s24+$0x10] =	vst v15;
	v11 =	vmul.f32 v14, v3;
	v9 =	vld [tilespmem:s24+$0x80]  }
0xf4: {  	v15 =	vld [tilespmem:s24+$0x90]  }
0xf5: {  	v16 =	vld [tilespmem:s24+$0xA0]  }
0xf6: {  	v21 =	vld [tilespmem:s24+$0xB0]  }
0xf7: {  	v17 =	vld [tilespmem:s24+$0xC0]  }
0xf8: {  	[tilespmem:s24+$0x20] =	vst v10;
	v4 =	vmul.f32 v4, v3;
	v22 =	vld [tilespmem:s24+$0xD0]  }
0xf9: {  	v23 =	vld [tilespmem:s24+$0xE0];
	[tilespmem:s24+$0x30] =	vst v11;
	v5 =	vmul.f32 v5, v3  }
0xfa: {  	s26 =	sadd.s32 $0x200, s24;
	v25 =	vld.idx.msk [tilespmem:v7+s13+$0x0], $0xffff;
	[tilespmem:s24+$0x40] =	vst v4;
	v24 =	vmul.f32 v6, v3  }
0xfb: {  	v30 =	vld [tilespmem:s26+$0xF0];
	[tilespmem:s24+$0x50] =	vst v5;
	v3 =	vmul.f32 v8, v3  }
0xfc: {  	v31 =	vld [tilespmem:s26+$0xFFFFFF00];
	[tilespmem:s24+$0x60] =	vst v24;
	v27 =	vmul.f32 v9, v1  }
0xfd: {  	v14 =	vmov s16;
	v33 =	vld [tilespmem:s26+$0xFFFFFF10];
	[tilespmem:s24+$0x70] =	vst v3;
	v3 =	vmul.f32 v15, v1  }
0xfe: {  	v14 =	vand.u32 $0x7F, v14;
	v34 =	vld [tilespmem:s26+$0xFFFFFF20];
	v29 =	vmul.f32 v16, v1;
	[tilespmem:s24+$0x80] =	vst v27  }
0xff: {  	v12 =	vor.u32 v2, v12;
	v35 =	vld [tilespmem:s26+$0xFFFFFF30];
	v2 =	vor.u32 v2, v14;
	[tilespmem:s24+$0x90] =	vst v3;
	v3 =	vmul.f32 v21, v1  }
0x100: {  	v36 =	vld [tilespmem:s26+$0xFFFFFF50];
	v2 =	vbroadcast v2, $0x0;
	v32 =	vmul.f32 v17, v1;
	[tilespmem:s24+$0xA0] =	vst v29  }
0x101: {  	v13 =	vbroadcast v13, $0x0;
	v38 =	vld [tilespmem:s26+$0xFFFFFF60];
	[tilespmem:s25+$0xB0] =	vst v3;
	v3 =	vmul.f32 v22, v1  }
0x102: {  	v39 =	vld [tilespmem:s26+$0xFFFFFF70];
	[tilespmem:s25+$0xC0] =	vst v32;
	v1 =	vmul.f32 v23, v1  }
0x103: {  	v37 =	vmul.f32 v33, v25;
	[tilespmem:s25+$0xD0] =	vst v3;
	v3 =	vld [tilespmem:s26+$0xFFFFFF40]  }
0x104: {  	v40 =	vld [tilespmem:s26+$0xFFFFFF80];
	[tilespmem:s25+$0xE0] =	vst v1;
	v1 =	vmul.f32 v31, v25  }
0x105: {  	v42 =	vld [tilespmem:s26+$0xFFFFFFA0];
	v4 =	vmul.f32 v35, v25;
	[tilespmem:s26+$0xFFFFFF10] =	vst v37  }
0x106: {  	v2 =	vld.idx.msk [tilespmem:v2+s13+$0x0], $0xffff;
	[tilespmem:s26+$0xFFFFFF00] =	vst v1;
	v1 =	vmul.f32 v34, v25  }
0x107: {  	v26 =	vld.idx.msk [tilespmem:v13+s13+$0x0], $0xffff;
	v41 =	vmul.f32 v36, v25;
	[tilespmem:s26+$0xFFFFFF30] =	vst v4  }
0x108: {  	[tilespmem:s26+$0xFFFFFF20] =	vst v1;
	v1 =	vmul.f32 v3, v25;
	v3 =	vld [tilespmem:s26+$0xFFFFFF90]  }
0x109: {  	v12 =	vbroadcast v12, $0x0;
	v43 =	vld [tilespmem:s26+$0xFFFFFFB0];
	v44 =	vmul.f32 v39, v25;
	[tilespmem:s26+$0xFFFFFF50] =	vst v41  }
0x10a: {  	v45 =	vld [tilespmem:s26+$0xFFFFFFC0];
	[tilespmem:s26+$0xFFFFFF40] =	vst v1;
	v1 =	vmul.f32 v38, v25  }
0x10b: {  	v46 =	vld [tilespmem:s26+$0xFFFFFFD0];
	[tilespmem:s26+$0xFFFFFF70] =	vst v44;
	v8 =	vmul.f32 v30, v2  }
0x10c: {  	v47 =	vld [tilespmem:s26+$0xFFFFFFE0];
	[tilespmem:s26+$0xFFFFFF60] =	vst v1;
	v1 =	vmul.f32 v40, v26  }
0x10d: {  	v48 =	vld [tilespmem:s26+$0xFFFFFFF0];
	[tilespmem:s26+$0xF0] =	vst v8;
	v3 =	vmul.f32 v3, v26  }
0x10e: {  	v49 =	vld [tilespmem:s26+$0x0];
	[tilespmem:s26+$0xFFFFFF80] =	vst v1;
	v1 =	vmul.f32 v42, v26  }
0x10f: {  	v28 =	vld.idx.msk [tilespmem:v12+s13+$0x0], $0xffff;
	[tilespmem:s26+$0xFFFFFF90] =	vst v3;
	v3 =	vmul.f32 v43, v26  }
0x110: {  	v50 =	vld [tilespmem:s26+$0x10];
	[tilespmem:s26+$0xFFFFFFA0] =	vst v1;
	v1 =	vmul.f32 v45, v26  }
0x111: {  	v51 =	vld [tilespmem:s26+$0x20];
	[tilespmem:s26+$0xFFFFFFB0] =	vst v3;
	v3 =	vmul.f32 v46, v26  }
0x112: {  	v52 =	vld [tilespmem:s26+$0x30];
	[tilespmem:s26+$0xFFFFFFC0] =	vst v1;
	v1 =	vmul.f32 v47, v26  }
0x113: {  	v53 =	vld [tilespmem:s26+$0x40];
	[tilespmem:s26+$0xFFFFFFD0] =	vst v3;
	v3 =	vmul.f32 v48, v26  }
0x114: {  	v54 =	vld [tilespmem:s26+$0x50];
	[tilespmem:s26+$0xFFFFFFE0] =	vst v1;
	v1 =	vmul.f32 v49, v28  }
0x115: {  	v55 =	vld [tilespmem:s26+$0x60];
	[tilespmem:s26+$0xFFFFFFF0] =	vst v3;
	v3 =	vmul.f32 v50, v28  }
0x116: {  	v56 =	vld [tilespmem:s26+$0x70];
	[tilespmem:s26+$0x0] =	vst v1;
	v1 =	vmul.f32 v51, v28  }
0x117: {  	v57 =	vld [tilespmem:s26+$0x80];
	[tilespmem:s26+$0x10] =	vst v3;
	v3 =	vmul.f32 v52, v28  }
0x118: {  	v58 =	vld [tilespmem:s26+$0x90];
	[tilespmem:s26+$0x20] =	vst v1;
	v1 =	vmul.f32 v53, v28  }
0x119: {  	v59 =	vld [tilespmem:s26+$0xA0];
	[tilespmem:s26+$0x30] =	vst v3;
	v3 =	vmul.f32 v54, v28  }
0x11a: {  	v60 =	vld [tilespmem:s26+$0xB0];
	[tilespmem:s26+$0x40] =	vst v1;
	v1 =	vmul.f32 v55, v28  }
0x11b: {  	v61 =	vld [tilespmem:s26+$0xC0];
	[tilespmem:s26+$0x50] =	vst v3;
	v3 =	vmul.f32 v56, v28  }
0x11c: {  	v62 =	vld [tilespmem:s26+$0xD0];
	[tilespmem:s26+$0x60] =	vst v1;
	v1 =	vmul.f32 v57, v2  }
0x11d: {  	v63 =	vld [tilespmem:s26+$0xE0];
	[tilespmem:s26+$0x70] =	vst v3;
	v3 =	vmul.f32 v58, v2  }
0x11e: {  	[tilespmem:s26+$0x80] =	vst v1;
	v1 =	vmul.f32 v59, v2  }
0x11f: {  	[tilespmem:s26+$0x90] =	vst v3;
	v3 =	vmul.f32 v60, v2  }
0x120: {  	p1 =	slt.u32 s20, $0x7D;
	[tilespmem:s26+$0xA0] =	vst v1;
	v1 =	vmul.f32 v61, v2  }
.Ltmp3:
0x121: {  	[tilespmem:s26+$0xB0] =	vst v3;
	v3 =	vmul.f32 v62, v2;
	(pc) =	sbr.rel @p1 .LBB2_4-.Ltmp3, $4  }
0x122: {  	[tilespmem:s26+$0xC0] =	vst v1;
	v1 =	vmul.f32 v63, v2  }
0x123: {  	[tilespmem:s26+$0xD0] =	vst v3  }
0x124: {  	s25 =	sadd.s32 $0x400, s21;
	[tilespmem:s26+$0xE0] =	vst v1;
	s26 =	sadd.s32 $0x9, s22;
	s22 =	smov.u32 s20  }
0x125: {  	[spmem:s5] =	stream.indirect.scatter.add.f32 [tilespmem:s23], [sflag:s26], $0x80, s25, s15, $0xb8;
	[tilespmem:$0x1BC80] =	vst v63  }
0x126: {  	s16 =	simm.s32 $0x9  }
0x127: {  	_ =	swait.ge [sflag:s16], $0x2800  }
0x128: {  	[sflag:s16] =	ssyncset.done $0x0  }
0x129: {  	[sflag:s16] =	ssyncadd.s32 $0xFFFFD800  }
0x12a: {  	_ =	swait.ge [sflag:s17], $0x2800  }
0x12b: {  	[sflag:s17] =	ssyncset.done $0x0  }
0x12c: {  	[sflag:s17] =	ssyncadd.s32 $0xFFFFD800  }
0x12d: {  	[bflag:$0x0] =	sbarrier.arrive $0xFFFF  }
0x12e: {  	[tilespmem:s11], [sflag:$0xD] =	stream.linear.gather [spmem:s28], $0x2800, $0x38;
	[tilespmem:$0x1BC80] =	vst v63  }
0x12f: {  	_ =	swait.ge [sflag:s18], $0x2800  }
0x130: {  	[sflag:s18] =	ssyncset.done $0x0  }
0x131: {  	s26 =	rddreg [dreg:$0x6];
	[sflag:s18] =	ssyncadd.s32 $0xFFFFD800  }
0x132: {  	[hbm4b:s26+s7] =	stream.linear.scatter [tilespmem:s11], [sflag:$0xC], $0x2800, $0x38;
	[tilespmem:$0x1BC80] =	vst v63  }
0x133: {  	_ =	swait.ge [sflag:s12], $0x2800  }
0x134: {  	[sflag:s12] =	ssyncset.done $0x0  }
0x135: {  	[sflag:s12] =	ssyncadd.s32 $0xFFFFD800  }
0x136: {  	[tilespmem:s11], [sflag:$0xD] =	stream.linear.gather [spmem:s29], $0x2800, $0x38;
	[tilespmem:$0x1BC80] =	vst v63  }
0x137: {  	_ =	swait.ge [sflag:s18], $0x2800  }
0x138: {  	[sflag:s18] =	ssyncset.done $0x0  }
0x139: {  	s20 =	rddreg [dreg:$0x7];
	[sflag:s18] =	ssyncadd.s32 $0xFFFFD800  }
0x13a: {  	[hbm4b:s20+s7] =	stream.linear.scatter [tilespmem:s11], [sflag:$0xC], $0x2800, $0x38;
	[tilespmem:$0x1BC80] =	vst v63  }
0x13b: {  	_ =	swait.ge [sflag:s12], $0x2800  }
0x13c: {  	[sflag:s12] =	ssyncset.done $0x0  }
0x13d: {  	[sflag:s12] =	ssyncadd.s32 $0xFFFFD800  }
0x13e: {  	[tilespmem:s11], [sflag:$0xD] =	stream.linear.gather [spmem:s30], $0x2800, $0x38;
	[tilespmem:$0x1BC80] =	vst v63  }
0x13f: {  	_ =	swait.ge [sflag:s18], $0x2800  }
0x140: {  	[sflag:s18] =	ssyncset.done $0x0  }
0x141: {  	s21 =	rddreg [dreg:$0x8];
	[sflag:s18] =	ssyncadd.s32 $0xFFFFD800  }
0x142: {  	[hbm4b:s21+s7] =	stream.linear.scatter [tilespmem:s11], [sflag:$0xC], $0x2800, $0x38;
	[tilespmem:$0x1BC80] =	vst v63  }
0x143: {  	_ =	swait.ge [sflag:s12], $0x2800  }
0x144: {  	[sflag:s12] =	ssyncset.done $0x0  }
0x145: {  	[sflag:s12] =	ssyncadd.s32 $0xFFFFD800  }
0x146: {  	[tilespmem:s11], [sflag:$0xD] =	stream.linear.gather [spmem:s31], $0x2800, $0x38;
	[tilespmem:$0x1BC80] =	vst v63  }
0x147: {  	_ =	swait.ge [sflag:s18], $0x2800  }
0x148: {  	[sflag:s18] =	ssyncset.done $0x0  }
0x149: {  	s22 =	rddreg [dreg:$0x9];
	[sflag:s18] =	ssyncadd.s32 $0xFFFFD800  }
0x14a: {  	[hbm4b:s22+s7] =	stream.linear.scatter [tilespmem:s11], [sflag:$0xC], $0x2800, $0x38;
	[tilespmem:$0x1BC80] =	vst v63  }
0x14b: {  	_ =	swait.ge [sflag:s12], $0x2800  }
0x14c: {  	[sflag:s12] =	ssyncset.done $0x0  }
0x14d: {  	[sflag:s12] =	ssyncadd.s32 $0xFFFFD800  }
0x14e: {  	[tilespmem:s11], [sflag:$0xD] =	stream.linear.gather [spmem:s0], $0x2800, $0x38;
	[tilespmem:$0x1BC80] =	vst v63  }
0x14f: {  	_ =	swait.ge [sflag:s18], $0x2800  }
0x150: {  	[sflag:s18] =	ssyncset.done $0x0  }
0x151: {  	s23 =	rddreg [dreg:$0xa];
	[sflag:s18] =	ssyncadd.s32 $0xFFFFD800  }
0x152: {  	[hbm4b:s23+s7] =	stream.linear.scatter [tilespmem:s11], [sflag:$0xC], $0x2800, $0x38;
	[tilespmem:$0x1BC80] =	vst v63  }
0x153: {  	_ =	swait.ge [sflag:s12], $0x2800  }
0x154: {  	[sflag:s12] =	ssyncset.done $0x0  }
0x155: {  	[sflag:s12] =	ssyncadd.s32 $0xFFFFD800  }
0x156: {  	[tilespmem:s11], [sflag:$0xD] =	stream.linear.gather [spmem:s6], $0x2800, $0x38;
	[tilespmem:$0x1BC80] =	vst v63  }
0x157: {  	_ =	swait.ge [sflag:s18], $0x2800  }
0x158: {  	[sflag:s18] =	ssyncset.done $0x0  }
0x159: {  	s24 =	rddreg [dreg:$0xb];
	[sflag:s18] =	ssyncadd.s32 $0xFFFFD800  }
0x15a: {  	[hbm4b:s24+s7] =	stream.linear.scatter [tilespmem:s11], [sflag:$0xC], $0x2800, $0x38;
	[tilespmem:$0x1BC80] =	vst v63  }
0x15b: {  	_ =	swait.ge [sflag:s12], $0x2800  }
0x15c: {  	[sflag:s12] =	ssyncset.done $0x0  }
0x15d: {  	[sflag:s12] =	ssyncadd.s32 $0xFFFFD800  }
0x15e: {  	[tilespmem:s11], [sflag:$0xD] =	stream.linear.gather [spmem:s9], $0x2800, $0x38;
	[tilespmem:$0x1BC80] =	vst v63  }
0x15f: {  	_ =	swait.ge [sflag:s18], $0x2800  }
0x160: {  	[sflag:s18] =	ssyncset.done $0x0  }
0x161: {  	s25 =	rddreg [dreg:$0xc];
	[sflag:s18] =	ssyncadd.s32 $0xFFFFD800  }
0x162: {  	[hbm4b:s25+s7] =	stream.linear.scatter [tilespmem:s11], [sflag:$0xC], $0x2800, $0x38;
	[tilespmem:$0x1BC80] =	vst v63  }
0x163: {  	_ =	swait.ge [sflag:s12], $0x2800  }
0x164: {  	[sflag:s12] =	ssyncset.done $0x0  }
0x165: {  	s16 =	simm.s32 @!p0 $0xC00;
	s20 =	simm.s32 @!p0 $0xD;
	[sflag:s12] =	ssyncadd.s32 $0xFFFFD800  }
0x166: {  	[tilespmem:s16], [sflag:$0xD] =	stream.linear.gather @!p0 [spmem:s10], $0x2800, $0x38;
	[tilespmem:$0x1BC80] =	vst v63  }
0x167: {  	_ =	swait.ge @!p0 [sflag:s20], $0x2800  }
0x168: {  	[sflag:s20] =	ssyncset.done @!p0 $0x0  }
0x169: {  	s21 =	rddreg [dreg:$0xd];
	[sflag:s20] =	ssyncadd.s32 @!p0 $0xFFFFD800;
	s20 =	simm.s32 @!p0 $0x0  }
0x16a: {  	[hbm4b:s21+s20] =	stream.linear.scatter @!p0 [tilespmem:s16], [sflag:$0xC], $0x2800, $0x38;
	[tilespmem:$0x1BC80] =	vst v63  }
0x16b: {  	s16 =	simm.s32 @!p0 $0xC  }
0x16c: {  	_ =	swait.ge @!p0 [sflag:s16], $0x2800  }
0x16d: {  	s19 =	sadd.s32 $0x1, s19;
	s26 =	rddreg [dreg:$0x17]  }
0x16e: {  	p1 =	sne.s32 s19, s26  }
.Ltmp4:
0x16f: {  	_ = 	snop;
	(pc) =	sbr.rel @p1 .LBB2_1-.Ltmp4, $3  }
0x170: {  	_ =	sdelay $0x1  }
0x171: {  	[sflag:s16] =	ssyncset.done @!p0 $0x0  }
0x172: {  	[sflag:s16] =	ssyncadd.s32 @!p0 $0xFFFFD800  }
0x173: {  	_ =	sfence.sel $0x180000  }
0x174: {  	[bflag:$0x0] =	sbarrier.arrive $0xFFFF  }
0x175: {  	_ =	strace $0x90000047  }
0x176: {  	s0 =	stileid.u32;
	[bflag:$0x2] =	sbarrier.arrive $0xFFFF  }
0x177: {  	p0 =	sne.s32 s0, $0x0;
	s0 =	rddreg [dreg:$0x5]  }
0x178: {  	s0 =	sadd.s32 @!p0 $0x100000, s0  }
0x179: {  	[sflag:s0] =	ssyncadd.tile.s32 @!p0 $0x1;
	_ =	shalt  }
.Lfunc_end2:
_tile_overlayer_lowered:
.L_overlay_start_2:
0x17a: {  	(tag) =	ssettag $0x2  }
0x17b: {  	s0 =	rddreg [dreg:$0x0];
	s2 =	stileid.u32  }
0x17c: {  	s1 =	rddreg [dreg:$0x1];
	p0 =	sne.s32 s2, $0x0  }
0x17d: {  	s3 =	rddreg [dreg:$0x2];
	[bflag:$0x3] =	sbarrier.arrive $0xFFFF;
	s2 =	simm.s32 @!p0 $0x1C0C  }
0x17e: {  	[timem:s3], [sflag:s2] =	dma.local @!p0 [hbm:s0], s1  }
0x17f: {  	s0 =	simm.s32 @!p0 $0xC  }
0x180: {  	_ =	swait.ge @!p0 [sflag:s0], s1  }
0x181: {  	s1 =	ssub.s32 @!p0 $0x0, s1;
	[sflag:s0] =	ssyncset.done @!p0 $0x0  }
0x182: {  	[sflag:s0] =	ssyncadd.s32 @!p0 s1  }
0x183: {  	[bflag:$0x3] =	sbarrier.arrive $0xFFFF  }
0x184: {  	_ =	shalt  }

</sc_bundles>
